<compile_context>
chip_gen: v7x
topology: tpu7x:2x2x1
jax: 0.10.2.dev20260603
libtpu: 0.0.44.dev20260713+nightly
codegen_flags: <defaults>
</compile_context>

<pallas_src>
import functools

import jax
import jax.numpy as jnp
from jax import lax
from jax.experimental import pallas as pl
from jax.experimental.pallas import tpu as pltpu
from jax.experimental.pallas import tpu_sc as plsc

B = 16384
D = 64
L = 16
CH = 256


def _make_user_kernel(num_cores, num_subcores):
    NW = num_cores * num_subcores
    bw = B // NW
    mesh = plsc.VectorSubcoreMesh(core_axis_name="c", subcore_axis_name="s")

    @functools.partial(
        pl.kernel,
        mesh=mesh,
        out_type=jax.ShapeDtypeStruct((B, D), jnp.float32),
        scratch_types=[
            pltpu.VMEM((bw,), jnp.int32),
            pltpu.VMEM((CH, D), jnp.float32),
            pltpu.SemaphoreType.DMA,
        ],
        compiler_params=pltpu.CompilerParams(needs_layout_passes=False),
    )
    def ku(uidx_hbm, ut_hbm, stage_hbm, uidx_v, urows_v, sem_u):
        wid = lax.axis_index("s") * num_cores + lax.axis_index("c")
        base = wid * bw
        pltpu.sync_copy(uidx_hbm.at[pl.ds(base, bw)], uidx_v)

        def chunk(c, carry):
            c0 = c * CH

            def issue(g, carry2):
                ivu = uidx_v[pl.ds(c0 + g * L, L)]
                for j in range(L):
                    ru = ivu[j]
                    pltpu.make_async_copy(
                        ut_hbm.at[pl.ds(ru, 1)],
                        urows_v.at[pl.ds(g * L + j, 1)], sem_u).start()
                return carry2

            lax.fori_loop(0, CH // L, issue, 0)

            def drain(j, carry2):
                pltpu.make_async_copy(
                    ut_hbm.at[pl.ds(0, 1)], urows_v.at[pl.ds(0, 1)],
                    sem_u).wait()
                return carry2

            lax.fori_loop(0, CH, drain, 0)
            pltpu.sync_copy(urows_v,
                            stage_hbm.at[pl.ds(base + c0, CH), :])
            return carry

        lax.fori_loop(0, bw // CH, chunk, 0)

    return ku


def _make_movie_dot_kernel(num_cores, num_subcores):
    NW = num_cores * num_subcores
    bw = B // NW
    mesh = plsc.VectorSubcoreMesh(core_axis_name="c", subcore_axis_name="s")

    @functools.partial(
        pl.kernel,
        mesh=mesh,
        out_type=jax.ShapeDtypeStruct((B,), jnp.float32),
        scratch_types=[
            pltpu.VMEM((bw,), jnp.int32),
            pltpu.VMEM((bw, D), jnp.float32),
            pltpu.VMEM((bw, D), jnp.float32),
            pltpu.VMEM((bw,), jnp.float32),
            pltpu.VMEM((L * L,), jnp.float32),
            pltpu.SemaphoreType.DMA,
            pltpu.SemaphoreType.DMA,
        ],
        compiler_params=pltpu.CompilerParams(
            needs_layout_passes=False, use_tc_tiling_on_sc=False),
    )
    def km(midx_hbm, mt_hbm, stage_hbm, out_hbm,
           midx_v, urows_v, mrows_v, out_v, accbuf_v, sem_u, sem_m):
        wid = lax.axis_index("s") * num_cores + lax.axis_index("c")
        base = wid * bw
        pltpu.sync_copy(midx_hbm.at[pl.ds(base, bw)], midx_v)
        cu = pltpu.async_copy(stage_hbm.at[pl.ds(base, bw), :], urows_v,
                              sem_u)
        cm = pltpu.async_copy(mt_hbm.at[midx_v], mrows_v, sem_m)
        cu.wait()
        cm.wait()

        riota = lax.iota(jnp.int32, L)

        def body(g, carry):
            for j in range(L):
                r = g * L + j
                acc = urows_v[r, pl.ds(0, L)] * mrows_v[r, pl.ds(0, L)]
                for kk in range(1, D // L):
                    acc = acc + (urows_v[r, pl.ds(kk * L, L)]
                                 * mrows_v[r, pl.ds(kk * L, L)])
                accbuf_v[pl.ds(j * L, L)] = acc
            res = jnp.zeros((L,), jnp.float32)
            for i in range(L):
                res = res + plsc.load_gather(accbuf_v, [riota * L + i])
            out_v[pl.ds(g * L, L)] = res
            return carry

        lax.fori_loop(0, bw // L, body, 0)
        pltpu.sync_copy(out_v, out_hbm.at[pl.ds(base, bw)])

    return km


def kernel(inputs, user_table, movie_table):
    info = plsc.get_sparse_core_info()
    ku = _make_user_kernel(info.num_cores, info.num_subcores)
    km = _make_movie_dot_kernel(info.num_cores, info.num_subcores)
    user_idx = inputs[:, 0]
    movie_idx = inputs[:, 1]
    stage = ku(user_idx, user_table)
    out = km(movie_idx, movie_table, stage)
    return out.reshape(B, 1)

# --- scband reference (transcript-rebuilt; emitter-appended) ---
"""Pipeline reference for scband-recommender-net-21938692948006 (READ-ONLY COPY).

The authoritative reference and input builder live on the scoring server;
editing this copy changes nothing except your own understanding.
"""

import jax, jax.numpy as jnp
import numpy as np

NUM_USERS = 1000000
NUM_MOVIES = 1000000
EMBED_DIM = 64
BATCH = 16384

def setup_inputs(seed: int = 0) -> dict:
    key = jax.random.key(seed)
    k1, k2, k3 = jax.random.split(key, 3)
    inputs = jax.random.randint(k1, (BATCH, 2), 0, NUM_USERS, dtype=jnp.int64) if jax.config.jax_enable_x64 else jax.random.randint(k1, (BATCH, 2), 0, NUM_USERS, dtype=jnp.int32)
    user_table = jax.random.normal(k2, (NUM_USERS, EMBED_DIM), dtype=jnp.float32) * 0.05
    movie_table = jax.random.normal(k3, (NUM_MOVIES, EMBED_DIM), dtype=jnp.float32) * 0.05
    return {"inputs": inputs, "user_table": user_table, "movie_table": movie_table}

def reference(inputs, user_table, movie_table):
    # user_vector = Embedding(num_users, D)(inputs[:, 0])
    user_vector = jnp.take(user_table, inputs[:, 0], axis=0)
    # movie_vector = Embedding(num_movies, D)(inputs[:, 1])
    movie_vector = jnp.take(movie_table, inputs[:, 1], axis=0)
    # Dot(axes=1) over feature axis -> [B, 1]
    out = jnp.sum(user_vector * movie_vector, axis=1, keepdims=True)
    return out

if __name__ == "__main__":
    import jax
    _d = setup_inputs()
    print(jax.jit(kernel)(*tuple(_d.values())))

</pallas_src>

<mosaic_0001>
#map = affine_map<(d0, d1) -> (0)>
#map1 = affine_map<(d0, d1) -> (0, 0)>
module attributes {stable_mosaic.version = 14 : i64} {
  func.func @km(%arg0: i32, %arg1: i32, %arg2: memref<16384xi32, #tpu.memory_space<hbm>>, %arg3: memref<1000000x64xf32, #tpu.memory_space<hbm>>, %arg4: memref<16384x64xf32, #tpu.memory_space<hbm>>, %arg5: memref<16384xf32, #tpu.memory_space<hbm>>, %arg6: memref<512xi32, #tpu.memory_space<vmem>>, %arg7: memref<512x64xf32, #tpu.memory_space<vmem>>, %arg8: memref<512x64xf32, #tpu.memory_space<vmem>>, %arg9: memref<512xf32, #tpu.memory_space<vmem>>, %arg10: memref<256xf32, #tpu.memory_space<vmem>>, %arg11: memref<!tpu.dma_semaphore, #tpu.memory_space<semaphore_mem>>, %arg12: memref<!tpu.dma_semaphore, #tpu.memory_space<semaphore_mem>>) attributes {dimension_semantics = [#tpu.dimension_semantics<core_parallel>, #tpu.dimension_semantics<subcore_parallel>], iteration_bounds = array<i64: 2, 16>, scalar_prefetch = 0 : i64, scratch_operands = 7 : i64, tpu.core_type = #tpu.core_type<sc_vector_subcore>, window_params = [{transform_indices = #map}, {transform_indices = #map1}, {transform_indices = #map1}, {transform_indices = #map}]} {
    %mul3A = arith.constant 2 : i32
    %mul3A_0 = arith.muli %arg1, %mul3A : i32
    %add3A = arith.addi %mul3A_0, %arg0 : i32
    %mul3A_1 = arith.constant 512 : i32
    %mul3A_2 = arith.muli %add3A, %mul3A_1 : i32
    "tpu.region"() ({
      %run_scoped3A = tpu.sem_alloc : memref<!tpu.dma_semaphore, #tpu.memory_space<semaphore_mem>>
      %dma_start3A_20 = tpu.memref_slice %arg2[%mul3A_2] : memref<16384xi32, #tpu.memory_space<hbm>> -> memref<512xi32, #tpu.memory_space<hbm>>
      %dma_start3A_21 = tpu.memref_slice %arg2[%mul3A_2] : memref<16384xi32, #tpu.memory_space<hbm>> -> memref<512xi32, #tpu.memory_space<hbm>>
      tpu.enqueue_dma source(%dma_start3A_21 : memref<512xi32, #tpu.memory_space<hbm>>) target(%arg6 : memref<512xi32, #tpu.memory_space<vmem>>) target_semaphore(%run_scoped3A : memref<!tpu.dma_semaphore, #tpu.memory_space<semaphore_mem>>)
      %dma_wait3A_22 = tpu.memref_slice %arg2[%mul3A_2] : memref<16384xi32, #tpu.memory_space<hbm>> -> memref<512xi32, #tpu.memory_space<hbm>>
      %dma_wait3A_23 = tpu.memref_slice %arg2[%mul3A_2] : memref<16384xi32, #tpu.memory_space<hbm>> -> memref<512xi32, #tpu.memory_space<hbm>>
      tpu.wait_dma2 semaphore(%run_scoped3A : memref<!tpu.dma_semaphore, #tpu.memory_space<semaphore_mem>>) src(%dma_wait3A_23 : memref<512xi32, #tpu.memory_space<hbm>>) dst(%arg6 : memref<512xi32, #tpu.memory_space<vmem>>)
      tpu.yield
    }) : () -> ()
    %dma_start3A = arith.constant 0 : i32
    %dma_start3A_3 = tpu.memref_slice %arg4[%mul3A_2, %dma_start3A] : memref<16384x64xf32, #tpu.memory_space<hbm>> -> memref<512x64xf32, #tpu.memory_space<hbm>>
    %dma_start3A_4 = arith.constant 0 : i32
    %dma_start3A_5 = tpu.memref_slice %arg4[%mul3A_2, %dma_start3A_4] : memref<16384x64xf32, #tpu.memory_space<hbm>> -> memref<512x64xf32, #tpu.memory_space<hbm>>
    tpu.enqueue_dma source(%dma_start3A_5 : memref<512x64xf32, #tpu.memory_space<hbm>>) target(%arg7 : memref<512x64xf32, #tpu.memory_space<vmem>>) target_semaphore(%arg11 : memref<!tpu.dma_semaphore, #tpu.memory_space<semaphore_mem>>)
    %dma_start3A_6 = arith.constant 0 : i32
    %dma_start3A_7 = arith.constant 0 : i32
    %dma_start3A_8 = tpu.memref_slice %arg3[%dma_start3A_6, %dma_start3A_7] : memref<1000000x64xf32, #tpu.memory_space<hbm>> -> memref<1000000x64xf32, #tpu.memory_space<hbm>>
    tpu.enqueue_indirect_dma source(%dma_start3A_8 : memref<1000000x64xf32, #tpu.memory_space<hbm>>) target(%arg8 : memref<512x64xf32, #tpu.memory_space<vmem>>) offsets(%arg6 : memref<512xi32, #tpu.memory_space<vmem>>) semaphore(%arg12 : memref<!tpu.dma_semaphore, #tpu.memory_space<semaphore_mem>>)
    %dma_wait3A = arith.constant 0 : i32
    %dma_wait3A_9 = tpu.memref_slice %arg4[%mul3A_2, %dma_wait3A] : memref<16384x64xf32, #tpu.memory_space<hbm>> -> memref<512x64xf32, #tpu.memory_space<hbm>>
    %dma_wait3A_10 = arith.constant 0 : i32
    %dma_wait3A_11 = tpu.memref_slice %arg4[%mul3A_2, %dma_wait3A_10] : memref<16384x64xf32, #tpu.memory_space<hbm>> -> memref<512x64xf32, #tpu.memory_space<hbm>>
    tpu.wait_dma2 semaphore(%arg11 : memref<!tpu.dma_semaphore, #tpu.memory_space<semaphore_mem>>) src(%dma_wait3A_11 : memref<512x64xf32, #tpu.memory_space<hbm>>) dst(%arg7 : memref<512x64xf32, #tpu.memory_space<vmem>>)
    %dma_wait3A_12 = arith.constant 0 : i32
    %dma_wait3A_13 = arith.constant 0 : i32
    %dma_wait3A_14 = tpu.memref_slice %arg3[%dma_wait3A_12, %dma_wait3A_13] : memref<1000000x64xf32, #tpu.memory_space<hbm>> -> memref<1000000x64xf32, #tpu.memory_space<hbm>>
    tpu.wait_indirect_dma semaphore(%arg12 : memref<!tpu.dma_semaphore, #tpu.memory_space<semaphore_mem>>) src(%dma_wait3A_14 : memref<1000000x64xf32, #tpu.memory_space<hbm>>) dst(%arg8 : memref<512x64xf32, #tpu.memory_space<vmem>>)
    %iota3A = tpu.iota {dimensions = array<i32: 0>} : vector<16xi32>
    %scan3A = arith.constant 0 : i32
    %scan3A_15 = arith.constant 0 : i32
    %scan3A_16 = arith.constant 32 : i32
    %scan3A_17 = arith.addi %scan3A_15, %scan3A_16 : i32
    %scan3A_18 = arith.constant 1 : i32
    scf.for %scan3A_20 = %scan3A_15 to %scan3A_17 step %scan3A_18  : i32 {
      %mul3A_21 = arith.constant 16 : i32
      %mul3A_22 = arith.muli %scan3A_20, %mul3A_21 : i32
      %add3A_23 = arith.constant 0 : i32
      %add3A_24 = arith.addi %mul3A_22, %add3A_23 : i32
      %get3A = arith.index_cast %add3A_24 : i32 to index
      %get3A_25 = arith.constant 0 : index
      %get3A_26 = tpu.vector_load %arg7[%get3A, %get3A_25] {strides = array<i32>} : memref<512x64xf32, #tpu.memory_space<vmem>>, vector<16xf32>,
      %get3A_27 = arith.index_cast %add3A_24 : i32 to index
      %get3A_28 = arith.constant 0 : index
      %get3A_29 = tpu.vector_load %arg8[%get3A_27, %get3A_28] {strides = array<i32>} : memref<512x64xf32, #tpu.memory_space<vmem>>, vector<16xf32>,
      %mul3A_30 = arith.mulf %get3A_26, %get3A_29 : vector<16xf32>
      %get3A_31 = arith.index_cast %add3A_24 : i32 to index
      %get3A_32 = arith.constant 16 : index
      %get3A_33 = tpu.vector_load %arg7[%get3A_31, %get3A_32] {strides = array<i32>} : memref<512x64xf32, #tpu.memory_space<vmem>>, vector<16xf32>,
      %get3A_34 = arith.index_cast %add3A_24 : i32 to index
      %get3A_35 = arith.constant 16 : index
      %get3A_36 = tpu.vector_load %arg8[%get3A_34, %get3A_35] {strides = array<i32>} : memref<512x64xf32, #tpu.memory_space<vmem>>, vector<16xf32>,
      %mul3A_37 = arith.mulf %get3A_33, %get3A_36 : vector<16xf32>
      %add3A_38 = arith.addf %mul3A_30, %mul3A_37 : vector<16xf32>
      %get3A_39 = arith.index_cast %add3A_24 : i32 to index
      %get3A_40 = arith.constant 32 : index
      %get3A_41 = tpu.vector_load %arg7[%get3A_39, %get3A_40] {strides = array<i32>} : memref<512x64xf32, #tpu.memory_space<vmem>>, vector<16xf32>,
      %get3A_42 = arith.index_cast %add3A_24 : i32 to index
      %get3A_43 = arith.constant 32 : index
      %get3A_44 = tpu.vector_load %arg8[%get3A_42, %get3A_43] {strides = array<i32>} : memref<512x64xf32, #tpu.memory_space<vmem>>, vector<16xf32>,
      %mul3A_45 = arith.mulf %get3A_41, %get3A_44 : vector<16xf32>
      %add3A_46 = arith.addf %add3A_38, %mul3A_45 : vector<16xf32>
      %get3A_47 = arith.index_cast %add3A_24 : i32 to index
      %get3A_48 = arith.constant 48 : index
      %get3A_49 = tpu.vector_load %arg7[%get3A_47, %get3A_48] {strides = array<i32>} : memref<512x64xf32, #tpu.memory_space<vmem>>, vector<16xf32>,
      %get3A_50 = arith.index_cast %add3A_24 : i32 to index
      %get3A_51 = arith.constant 48 : index
      %get3A_52 = tpu.vector_load %arg8[%get3A_50, %get3A_51] {strides = array<i32>} : memref<512x64xf32, #tpu.memory_space<vmem>>, vector<16xf32>,
      %mul3A_53 = arith.mulf %get3A_49, %get3A_52 : vector<16xf32>
      %add3A_54 = arith.addf %add3A_46, %mul3A_53 : vector<16xf32>
      %swap3A = arith.constant 0 : index
      %swap3A_55 = tpu.vector_load %arg10[%swap3A] {strides = array<i32>} : memref<256xf32, #tpu.memory_space<vmem>>, vector<16xf32>,
      tpu.vector_store %arg10[%swap3A], %add3A_54 {strides = array<i32>} : memref<256xf32, #tpu.memory_space<vmem>>, vector<16xf32>,
      %mul3A_56 = arith.constant 16 : i32
      %mul3A_57 = arith.muli %scan3A_20, %mul3A_56 : i32
      %add3A_58 = arith.constant 1 : i32
      %add3A_59 = arith.addi %mul3A_57, %add3A_58 : i32
      %get3A_60 = arith.index_cast %add3A_59 : i32 to index
      %get3A_61 = arith.constant 0 : index
      %get3A_62 = tpu.vector_load %arg7[%get3A_60, %get3A_61] {strides = array<i32>} : memref<512x64xf32, #tpu.memory_space<vmem>>, vector<16xf32>,
      %get3A_63 = arith.index_cast %add3A_59 : i32 to index
      %get3A_64 = arith.constant 0 : index
      %get3A_65 = tpu.vector_load %arg8[%get3A_63, %get3A_64] {strides = array<i32>} : memref<512x64xf32, #tpu.memory_space<vmem>>, vector<16xf32>,
      %mul3A_66 = arith.mulf %get3A_62, %get3A_65 : vector<16xf32>
      %get3A_67 = arith.index_cast %add3A_59 : i32 to index
      %get3A_68 = arith.constant 16 : index
      %get3A_69 = tpu.vector_load %arg7[%get3A_67, %get3A_68] {strides = array<i32>} : memref<512x64xf32, #tpu.memory_space<vmem>>, vector<16xf32>,
      %get3A_70 = arith.index_cast %add3A_59 : i32 to index
      %get3A_71 = arith.constant 16 : index
      %get3A_72 = tpu.vector_load %arg8[%get3A_70, %get3A_71] {strides = array<i32>} : memref<512x64xf32, #tpu.memory_space<vmem>>, vector<16xf32>,
      %mul3A_73 = arith.mulf %get3A_69, %get3A_72 : vector<16xf32>
      %add3A_74 = arith.addf %mul3A_66, %mul3A_73 : vector<16xf32>
      %get3A_75 = arith.index_cast %add3A_59 : i32 to index
      %get3A_76 = arith.constant 32 : index
      %get3A_77 = tpu.vector_load %arg7[%get3A_75, %get3A_76] {strides = array<i32>} : memref<512x64xf32, #tpu.memory_space<vmem>>, vector<16xf32>,
      %get3A_78 = arith.index_cast %add3A_59 : i32 to index
      %get3A_79 = arith.constant 32 : index
      %get3A_80 = tpu.vector_load %arg8[%get3A_78, %get3A_79] {strides = array<i32>} : memref<512x64xf32, #tpu.memory_space<vmem>>, vector<16xf32>,
      %mul3A_81 = arith.mulf %get3A_77, %get3A_80 : vector<16xf32>
      %add3A_82 = arith.addf %add3A_74, %mul3A_81 : vector<16xf32>
      %get3A_83 = arith.index_cast %add3A_59 : i32 to index
      %get3A_84 = arith.constant 48 : index
      %get3A_85 = tpu.vector_load %arg7[%get3A_83, %get3A_84] {strides = array<i32>} : memref<512x64xf32, #tpu.memory_space<vmem>>, vector<16xf32>,
      %get3A_86 = arith.index_cast %add3A_59 : i32 to index
      %get3A_87 = arith.constant 48 : index
      %get3A_88 = tpu.vector_load %arg8[%get3A_86, %get3A_87] {strides = array<i32>} : memref<512x64xf32, #tpu.memory_space<vmem>>, vector<16xf32>,
      %mul3A_89 = arith.mulf %get3A_85, %get3A_88 : vector<16xf32>
      %add3A_90 = arith.addf %add3A_82, %mul3A_89 : vector<16xf32>
      %swap3A_91 = arith.constant 16 : index
      %swap3A_92 = tpu.vector_load %arg10[%swap3A_91] {strides = array<i32>} : memref<256xf32, #tpu.memory_space<vmem>>, vector<16xf32>,
      tpu.vector_store %arg10[%swap3A_91], %add3A_90 {strides = array<i32>} : memref<256xf32, #tpu.memory_space<vmem>>, vector<16xf32>,
      %mul3A_93 = arith.constant 16 : i32
      %mul3A_94 = arith.muli %scan3A_20, %mul3A_93 : i32
      %add3A_95 = arith.constant 2 : i32
      %add3A_96 = arith.addi %mul3A_94, %add3A_95 : i32
      %get3A_97 = arith.index_cast %add3A_96 : i32 to index
      %get3A_98 = arith.constant 0 : index
      %get3A_99 = tpu.vector_load %arg7[%get3A_97, %get3A_98] {strides = array<i32>} : memref<512x64xf32, #tpu.memory_space<vmem>>, vector<16xf32>,
      %get3A_100 = arith.index_cast %add3A_96 : i32 to index
      %get3A_101 = arith.constant 0 : index
      %get3A_102 = tpu.vector_load %arg8[%get3A_100, %get3A_101] {strides = array<i32>} : memref<512x64xf32, #tpu.memory_space<vmem>>, vector<16xf32>,
      %mul3A_103 = arith.mulf %get3A_99, %get3A_102 : vector<16xf32>
      %get3A_104 = arith.index_cast %add3A_96 : i32 to index
      %get3A_105 = arith.constant 16 : index
      %get3A_106 = tpu.vector_load %arg7[%get3A_104, %get3A_105] {strides = array<i32>} : memref<512x64xf32, #tpu.memory_space<vmem>>, vector<16xf32>,
      %get3A_107 = arith.index_cast %add3A_96 : i32 to index
      %get3A_108 = arith.constant 16 : index
      %get3A_109 = tpu.vector_load %arg8[%get3A_107, %get3A_108] {strides = array<i32>} : memref<512x64xf32, #tpu.memory_space<vmem>>, vector<16xf32>,
      %mul3A_110 = arith.mulf %get3A_106, %get3A_109 : vector<16xf32>
      %add3A_111 = arith.addf %mul3A_103, %mul3A_110 : vector<16xf32>
      %get3A_112 = arith.index_cast %add3A_96 : i32 to index
      %get3A_113 = arith.constant 32 : index
      %get3A_114 = tpu.vector_load %arg7[%get3A_112, %get3A_113] {strides = array<i32>} : memref<512x64xf32, #tpu.memory_space<vmem>>, vector<16xf32>,
      %get3A_115 = arith.index_cast %add3A_96 : i32 to index
      %get3A_116 = arith.constant 32 : index
      %get3A_117 = tpu.vector_load %arg8[%get3A_115, %get3A_116] {strides = array<i32>} : memref<512x64xf32, #tpu.memory_space<vmem>>, vector<16xf32>,
      %mul3A_118 = arith.mulf %get3A_114, %get3A_117 : vector<16xf32>
      %add3A_119 = arith.addf %add3A_111, %mul3A_118 : vector<16xf32>
      %get3A_120 = arith.index_cast %add3A_96 : i32 to index
      %get3A_121 = arith.constant 48 : index
      %get3A_122 = tpu.vector_load %arg7[%get3A_120, %get3A_121] {strides = array<i32>} : memref<512x64xf32, #tpu.memory_space<vmem>>, vector<16xf32>,
      %get3A_123 = arith.index_cast %add3A_96 : i32 to index
      %get3A_124 = arith.constant 48 : index
      %get3A_125 = tpu.vector_load %arg8[%get3A_123, %get3A_124] {strides = array<i32>} : memref<512x64xf32, #tpu.memory_space<vmem>>, vector<16xf32>,
      %mul3A_126 = arith.mulf %get3A_122, %get3A_125 : vector<16xf32>
      %add3A_127 = arith.addf %add3A_119, %mul3A_126 : vector<16xf32>
      %swap3A_128 = arith.constant 32 : index
      %swap3A_129 = tpu.vector_load %arg10[%swap3A_128] {strides = array<i32>} : memref<256xf32, #tpu.memory_space<vmem>>, vector<16xf32>,
      tpu.vector_store %arg10[%swap3A_128], %add3A_127 {strides = array<i32>} : memref<256xf32, #tpu.memory_space<vmem>>, vector<16xf32>,
      %mul3A_130 = arith.constant 16 : i32
      %mul3A_131 = arith.muli %scan3A_20, %mul3A_130 : i32
      %add3A_132 = arith.constant 3 : i32
      %add3A_133 = arith.addi %mul3A_131, %add3A_132 : i32
      %get3A_134 = arith.index_cast %add3A_133 : i32 to index
      %get3A_135 = arith.constant 0 : index
      %get3A_136 = tpu.vector_load %arg7[%get3A_134, %get3A_135] {strides = array<i32>} : memref<512x64xf32, #tpu.memory_space<vmem>>, vector<16xf32>,
      %get3A_137 = arith.index_cast %add3A_133 : i32 to index
      %get3A_138 = arith.constant 0 : index
      %get3A_139 = tpu.vector_load %arg8[%get3A_137, %get3A_138] {strides = array<i32>} : memref<512x64xf32, #tpu.memory_space<vmem>>, vector<16xf32>,
      %mul3A_140 = arith.mulf %get3A_136, %get3A_139 : vector<16xf32>
      %get3A_141 = arith.index_cast %add3A_133 : i32 to index
      %get3A_142 = arith.constant 16 : index
      %get3A_143 = tpu.vector_load %arg7[%get3A_141, %get3A_142] {strides = array<i32>} : memref<512x64xf32, #tpu.memory_space<vmem>>, vector<16xf32>,
      %get3A_144 = arith.index_cast %add3A_133 : i32 to index
      %get3A_145 = arith.constant 16 : index
      %get3A_146 = tpu.vector_load %arg8[%get3A_144, %get3A_145] {strides = array<i32>} : memref<512x64xf32, #tpu.memory_space<vmem>>, vector<16xf32>,
      %mul3A_147 = arith.mulf %get3A_143, %get3A_146 : vector<16xf32>
      %add3A_148 = arith.addf %mul3A_140, %mul3A_147 : vector<16xf32>
      %get3A_149 = arith.index_cast %add3A_133 : i32 to index
      %get3A_150 = arith.constant 32 : index
      %get3A_151 = tpu.vector_load %arg7[%get3A_149, %get3A_150] {strides = array<i32>} : memref<512x64xf32, #tpu.memory_space<vmem>>, vector<16xf32>,
      %get3A_152 = arith.index_cast %add3A_133 : i32 to index
      %get3A_153 = arith.constant 32 : index
      %get3A_154 = tpu.vector_load %arg8[%get3A_152, %get3A_153] {strides = array<i32>} : memref<512x64xf32, #tpu.memory_space<vmem>>, vector<16xf32>,
      %mul3A_155 = arith.mulf %get3A_151, %get3A_154 : vector<16xf32>
      %add3A_156 = arith.addf %add3A_148, %mul3A_155 : vector<16xf32>
      %get3A_157 = arith.index_cast %add3A_133 : i32 to index
      %get3A_158 = arith.constant 48 : index
      %get3A_159 = tpu.vector_load %arg7[%get3A_157, %get3A_158] {strides = array<i32>} : memref<512x64xf32, #tpu.memory_space<vmem>>, vector<16xf32>,
      %get3A_160 = arith.index_cast %add3A_133 : i32 to index
      %get3A_161 = arith.constant 48 : index
      %get3A_162 = tpu.vector_load %arg8[%get3A_160, %get3A_161] {strides = array<i32>} : memref<512x64xf32, #tpu.memory_space<vmem>>, vector<16xf32>,
      %mul3A_163 = arith.mulf %get3A_159, %get3A_162 : vector<16xf32>
      %add3A_164 = arith.addf %add3A_156, %mul3A_163 : vector<16xf32>
      %swap3A_165 = arith.constant 48 : index
      %swap3A_166 = tpu.vector_load %arg10[%swap3A_165] {strides = array<i32>} : memref<256xf32, #tpu.memory_space<vmem>>, vector<16xf32>,
      tpu.vector_store %arg10[%swap3A_165], %add3A_164 {strides = array<i32>} : memref<256xf32, #tpu.memory_space<vmem>>, vector<16xf32>,
      %mul3A_167 = arith.constant 16 : i32
      %mul3A_168 = arith.muli %scan3A_20, %mul3A_167 : i32
      %add3A_169 = arith.constant 4 : i32
      %add3A_170 = arith.addi %mul3A_168, %add3A_169 : i32
      %get3A_171 = arith.index_cast %add3A_170 : i32 to index
      %get3A_172 = arith.constant 0 : index
      %get3A_173 = tpu.vector_load %arg7[%get3A_171, %get3A_172] {strides = array<i32>} : memref<512x64xf32, #tpu.memory_space<vmem>>, vector<16xf32>,
      %get3A_174 = arith.index_cast %add3A_170 : i32 to index
      %get3A_175 = arith.constant 0 : index
      %get3A_176 = tpu.vector_load %arg8[%get3A_174, %get3A_175] {strides = array<i32>} : memref<512x64xf32, #tpu.memory_space<vmem>>, vector<16xf32>,
      %mul3A_177 = arith.mulf %get3A_173, %get3A_176 : vector<16xf32>
      %get3A_178 = arith.index_cast %add3A_170 : i32 to index
      %get3A_179 = arith.constant 16 : index
      %get3A_180 = tpu.vector_load %arg7[%get3A_178, %get3A_179] {strides = array<i32>} : memref<512x64xf32, #tpu.memory_space<vmem>>, vector<16xf32>,
      %get3A_181 = arith.index_cast %add3A_170 : i32 to index
      %get3A_182 = arith.constant 16 : index
      %get3A_183 = tpu.vector_load %arg8[%get3A_181, %get3A_182] {strides = array<i32>} : memref<512x64xf32, #tpu.memory_space<vmem>>, vector<16xf32>,
      %mul3A_184 = arith.mulf %get3A_180, %get3A_183 : vector<16xf32>
      %add3A_185 = arith.addf %mul3A_177, %mul3A_184 : vector<16xf32>
      %get3A_186 = arith.index_cast %add3A_170 : i32 to index
      %get3A_187 = arith.constant 32 : index
      %get3A_188 = tpu.vector_load %arg7[%get3A_186, %get3A_187] {strides = array<i32>} : memref<512x64xf32, #tpu.memory_space<vmem>>, vector<16xf32>,
      %get3A_189 = arith.index_cast %add3A_170 : i32 to index
      %get3A_190 = arith.constant 32 : index
      %get3A_191 = tpu.vector_load %arg8[%get3A_189, %get3A_190] {strides = array<i32>} : memref<512x64xf32, #tpu.memory_space<vmem>>, vector<16xf32>,
      %mul3A_192 = arith.mulf %get3A_188, %get3A_191 : vector<16xf32>
      %add3A_193 = arith.addf %add3A_185, %mul3A_192 : vector<16xf32>
      %get3A_194 = arith.index_cast %add3A_170 : i32 to index
      %get3A_195 = arith.constant 48 : index
      %get3A_196 = tpu.vector_load %arg7[%get3A_194, %get3A_195] {strides = array<i32>} : memref<512x64xf32, #tpu.memory_space<vmem>>, vector<16xf32>,
      %get3A_197 = arith.index_cast %add3A_170 : i32 to index
      %get3A_198 = arith.constant 48 : index
      %get3A_199 = tpu.vector_load %arg8[%get3A_197, %get3A_198] {strides = array<i32>} : memref<512x64xf32, #tpu.memory_space<vmem>>, vector<16xf32>,
      %mul3A_200 = arith.mulf %get3A_196, %get3A_199 : vector<16xf32>
      %add3A_201 = arith.addf %add3A_193, %mul3A_200 : vector<16xf32>
      %swap3A_202 = arith.constant 64 : index
      %swap3A_203 = tpu.vector_load %arg10[%swap3A_202] {strides = array<i32>} : memref<256xf32, #tpu.memory_space<vmem>>, vector<16xf32>,
      tpu.vector_store %arg10[%swap3A_202], %add3A_201 {strides = array<i32>} : memref<256xf32, #tpu.memory_space<vmem>>, vector<16xf32>,
      %mul3A_204 = arith.constant 16 : i32
      %mul3A_205 = arith.muli %scan3A_20, %mul3A_204 : i32
      %add3A_206 = arith.constant 5 : i32
      %add3A_207 = arith.addi %mul3A_205, %add3A_206 : i32
      %get3A_208 = arith.index_cast %add3A_207 : i32 to index
      %get3A_209 = arith.constant 0 : index
      %get3A_210 = tpu.vector_load %arg7[%get3A_208, %get3A_209] {strides = array<i32>} : memref<512x64xf32, #tpu.memory_space<vmem>>, vector<16xf32>,
      %get3A_211 = arith.index_cast %add3A_207 : i32 to index
      %get3A_212 = arith.constant 0 : index
      %get3A_213 = tpu.vector_load %arg8[%get3A_211, %get3A_212] {strides = array<i32>} : memref<512x64xf32, #tpu.memory_space<vmem>>, vector<16xf32>,
      %mul3A_214 = arith.mulf %get3A_210, %get3A_213 : vector<16xf32>
      %get3A_215 = arith.index_cast %add3A_207 : i32 to index
      %get3A_216 = arith.constant 16 : index
      %get3A_217 = tpu.vector_load %arg7[%get3A_215, %get3A_216] {strides = array<i32>} : memref<512x64xf32, #tpu.memory_space<vmem>>, vector<16xf32>,
      %get3A_218 = arith.index_cast %add3A_207 : i32 to index
      %get3A_219 = arith.constant 16 : index
      %get3A_220 = tpu.vector_load %arg8[%get3A_218, %get3A_219] {strides = array<i32>} : memref<512x64xf32, #tpu.memory_space<vmem>>, vector<16xf32>,
      %mul3A_221 = arith.mulf %get3A_217, %get3A_220 : vector<16xf32>
      %add3A_222 = arith.addf %mul3A_214, %mul3A_221 : vector<16xf32>
      %get3A_223 = arith.index_cast %add3A_207 : i32 to index
      %get3A_224 = arith.constant 32 : index
      %get3A_225 = tpu.vector_load %arg7[%get3A_223, %get3A_224] {strides = array<i32>} : memref<512x64xf32, #tpu.memory_space<vmem>>, vector<16xf32>,
      %get3A_226 = arith.index_cast %add3A_207 : i32 to index
      %get3A_227 = arith.constant 32 : index
      %get3A_228 = tpu.vector_load %arg8[%get3A_226, %get3A_227] {strides = array<i32>} : memref<512x64xf32, #tpu.memory_space<vmem>>, vector<16xf32>,
      %mul3A_229 = arith.mulf %get3A_225, %get3A_228 : vector<16xf32>
      %add3A_230 = arith.addf %add3A_222, %mul3A_229 : vector<16xf32>
      %get3A_231 = arith.index_cast %add3A_207 : i32 to index
      %get3A_232 = arith.constant 48 : index
      %get3A_233 = tpu.vector_load %arg7[%get3A_231, %get3A_232] {strides = array<i32>} : memref<512x64xf32, #tpu.memory_space<vmem>>, vector<16xf32>,
      %get3A_234 = arith.index_cast %add3A_207 : i32 to index
      %get3A_235 = arith.constant 48 : index
      %get3A_236 = tpu.vector_load %arg8[%get3A_234, %get3A_235] {strides = array<i32>} : memref<512x64xf32, #tpu.memory_space<vmem>>, vector<16xf32>,
      %mul3A_237 = arith.mulf %get3A_233, %get3A_236 : vector<16xf32>
      %add3A_238 = arith.addf %add3A_230, %mul3A_237 : vector<16xf32>
      %swap3A_239 = arith.constant 80 : index
      %swap3A_240 = tpu.vector_load %arg10[%swap3A_239] {strides = array<i32>} : memref<256xf32, #tpu.memory_space<vmem>>, vector<16xf32>,
      tpu.vector_store %arg10[%swap3A_239], %add3A_238 {strides = array<i32>} : memref<256xf32, #tpu.memory_space<vmem>>, vector<16xf32>,
      %mul3A_241 = arith.constant 16 : i32
      %mul3A_242 = arith.muli %scan3A_20, %mul3A_241 : i32
      %add3A_243 = arith.constant 6 : i32
      %add3A_244 = arith.addi %mul3A_242, %add3A_243 : i32
      %get3A_245 = arith.index_cast %add3A_244 : i32 to index
      %get3A_246 = arith.constant 0 : index
      %get3A_247 = tpu.vector_load %arg7[%get3A_245, %get3A_246] {strides = array<i32>} : memref<512x64xf32, #tpu.memory_space<vmem>>, vector<16xf32>,
      %get3A_248 = arith.index_cast %add3A_244 : i32 to index
      %get3A_249 = arith.constant 0 : index
      %get3A_250 = tpu.vector_load %arg8[%get3A_248, %get3A_249] {strides = array<i32>} : memref<512x64xf32, #tpu.memory_space<vmem>>, vector<16xf32>,
      %mul3A_251 = arith.mulf %get3A_247, %get3A_250 : vector<16xf32>
      %get3A_252 = arith.index_cast %add3A_244 : i32 to index
      %get3A_253 = arith.constant 16 : index
      %get3A_254 = tpu.vector_load %arg7[%get3A_252, %get3A_253] {strides = array<i32>} : memref<512x64xf32, #tpu.memory_space<vmem>>, vector<16xf32>,
      %get3A_255 = arith.index_cast %add3A_244 : i32 to index
      %get3A_256 = arith.constant 16 : index
      %get3A_257 = tpu.vector_load %arg8[%get3A_255, %get3A_256] {strides = array<i32>} : memref<512x64xf32, #tpu.memory_space<vmem>>, vector<16xf32>,
      %mul3A_258 = arith.mulf %get3A_254, %get3A_257 : vector<16xf32>
      %add3A_259 = arith.addf %mul3A_251, %mul3A_258 : vector<16xf32>
      %get3A_260 = arith.index_cast %add3A_244 : i32 to index
      %get3A_261 = arith.constant 32 : index
      %get3A_262 = tpu.vector_load %arg7[%get3A_260, %get3A_261] {strides = array<i32>} : memref<512x64xf32, #tpu.memory_space<vmem>>, vector<16xf32>,
      %get3A_263 = arith.index_cast %add3A_244 : i32 to index
      %get3A_264 = arith.constant 32 : index
      %get3A_265 = tpu.vector_load %arg8[%get3A_263, %get3A_264] {strides = array<i32>} : memref<512x64xf32, #tpu.memory_space<vmem>>, vector<16xf32>,
      %mul3A_266 = arith.mulf %get3A_262, %get3A_265 : vector<16xf32>
      %add3A_267 = arith.addf %add3A_259, %mul3A_266 : vector<16xf32>
      %get3A_268 = arith.index_cast %add3A_244 : i32 to index
      %get3A_269 = arith.constant 48 : index
      %get3A_270 = tpu.vector_load %arg7[%get3A_268, %get3A_269] {strides = array<i32>} : memref<512x64xf32, #tpu.memory_space<vmem>>, vector<16xf32>,
      %get3A_271 = arith.index_cast %add3A_244 : i32 to index
      %get3A_272 = arith.constant 48 : index
      %get3A_273 = tpu.vector_load %arg8[%get3A_271, %get3A_272] {strides = array<i32>} : memref<512x64xf32, #tpu.memory_space<vmem>>, vector<16xf32>,
      %mul3A_274 = arith.mulf %get3A_270, %get3A_273 : vector<16xf32>
      %add3A_275 = arith.addf %add3A_267, %mul3A_274 : vector<16xf32>
      %swap3A_276 = arith.constant 96 : index
      %swap3A_277 = tpu.vector_load %arg10[%swap3A_276] {strides = array<i32>} : memref<256xf32, #tpu.memory_space<vmem>>, vector<16xf32>,
      tpu.vector_store %arg10[%swap3A_276], %add3A_275 {strides = array<i32>} : memref<256xf32, #tpu.memory_space<vmem>>, vector<16xf32>,
      %mul3A_278 = arith.constant 16 : i32
      %mul3A_279 = arith.muli %scan3A_20, %mul3A_278 : i32
      %add3A_280 = arith.constant 7 : i32
      %add3A_281 = arith.addi %mul3A_279, %add3A_280 : i32
      %get3A_282 = arith.index_cast %add3A_281 : i32 to index
      %get3A_283 = arith.constant 0 : index
      %get3A_284 = tpu.vector_load %arg7[%get3A_282, %get3A_283] {strides = array<i32>} : memref<512x64xf32, #tpu.memory_space<vmem>>, vector<16xf32>,
      %get3A_285 = arith.index_cast %add3A_281 : i32 to index
      %get3A_286 = arith.constant 0 : index
      %get3A_287 = tpu.vector_load %arg8[%get3A_285, %get3A_286] {strides = array<i32>} : memref<512x64xf32, #tpu.memory_space<vmem>>, vector<16xf32>,
      %mul3A_288 = arith.mulf %get3A_284, %get3A_287 : vector<16xf32>
      %get3A_289 = arith.index_cast %add3A_281 : i32 to index
      %get3A_290 = arith.constant 16 : index
      %get3A_291 = tpu.vector_load %arg7[%get3A_289, %get3A_290] {strides = array<i32>} : memref<512x64xf32, #tpu.memory_space<vmem>>, vector<16xf32>,
      %get3A_292 = arith.index_cast %add3A_281 : i32 to index
      %get3A_293 = arith.constant 16 : index
      %get3A_294 = tpu.vector_load %arg8[%get3A_292, %get3A_293] {strides = array<i32>} : memref<512x64xf32, #tpu.memory_space<vmem>>, vector<16xf32>,
      %mul3A_295 = arith.mulf %get3A_291, %get3A_294 : vector<16xf32>
      %add3A_296 = arith.addf %mul3A_288, %mul3A_295 : vector<16xf32>
      %get3A_297 = arith.index_cast %add3A_281 : i32 to index
      %get3A_298 = arith.constant 32 : index
      %get3A_299 = tpu.vector_load %arg7[%get3A_297, %get3A_298] {strides = array<i32>} : memref<512x64xf32, #tpu.memory_space<vmem>>, vector<16xf32>,
      %get3A_300 = arith.index_cast %add3A_281 : i32 to index
      %get3A_301 = arith.constant 32 : index
      %get3A_302 = tpu.vector_load %arg8[%get3A_300, %get3A_301] {strides = array<i32>} : memref<512x64xf32, #tpu.memory_space<vmem>>, vector<16xf32>,
      %mul3A_303 = arith.mulf %get3A_299, %get3A_302 : vector<16xf32>
      %add3A_304 = arith.addf %add3A_296, %mul3A_303 : vector<16xf32>
      %get3A_305 = arith.index_cast %add3A_281 : i32 to index
      %get3A_306 = arith.constant 48 : index
      %get3A_307 = tpu.vector_load %arg7[%get3A_305, %get3A_306] {strides = array<i32>} : memref<512x64xf32, #tpu.memory_space<vmem>>, vector<16xf32>,
      %get3A_308 = arith.index_cast %add3A_281 : i32 to index
      %get3A_309 = arith.constant 48 : index
      %get3A_310 = tpu.vector_load %arg8[%get3A_308, %get3A_309] {strides = array<i32>} : memref<512x64xf32, #tpu.memory_space<vmem>>, vector<16xf32>,
      %mul3A_311 = arith.mulf %get3A_307, %get3A_310 : vector<16xf32>
      %add3A_312 = arith.addf %add3A_304, %mul3A_311 : vector<16xf32>
      %swap3A_313 = arith.constant 112 : index
      %swap3A_314 = tpu.vector_load %arg10[%swap3A_313] {strides = array<i32>} : memref<256xf32, #tpu.memory_space<vmem>>, vector<16xf32>,
      tpu.vector_store %arg10[%swap3A_313], %add3A_312 {strides = array<i32>} : memref<256xf32, #tpu.memory_space<vmem>>, vector<16xf32>,
      %mul3A_315 = arith.constant 16 : i32
      %mul3A_316 = arith.muli %scan3A_20, %mul3A_315 : i32
      %add3A_317 = arith.constant 8 : i32
      %add3A_318 = arith.addi %mul3A_316, %add3A_317 : i32
      %get3A_319 = arith.index_cast %add3A_318 : i32 to index
      %get3A_320 = arith.constant 0 : index
      %get3A_321 = tpu.vector_load %arg7[%get3A_319, %get3A_320] {strides = array<i32>} : memref<512x64xf32, #tpu.memory_space<vmem>>, vector<16xf32>,
      %get3A_322 = arith.index_cast %add3A_318 : i32 to index
      %get3A_323 = arith.constant 0 : index
      %get3A_324 = tpu.vector_load %arg8[%get3A_322, %get3A_323] {strides = array<i32>} : memref<512x64xf32, #tpu.memory_space<vmem>>, vector<16xf32>,
      %mul3A_325 = arith.mulf %get3A_321, %get3A_324 : vector<16xf32>
      %get3A_326 = arith.index_cast %add3A_318 : i32 to index
      %get3A_327 = arith.constant 16 : index
      %get3A_328 = tpu.vector_load %arg7[%get3A_326, %get3A_327] {strides = array<i32>} : memref<512x64xf32, #tpu.memory_space<vmem>>, vector<16xf32>,
      %get3A_329 = arith.index_cast %add3A_318 : i32 to index
      %get3A_330 = arith.constant 16 : index
      %get3A_331 = tpu.vector_load %arg8[%get3A_329, %get3A_330] {strides = array<i32>} : memref<512x64xf32, #tpu.memory_space<vmem>>, vector<16xf32>,
      %mul3A_332 = arith.mulf %get3A_328, %get3A_331 : vector<16xf32>
      %add3A_333 = arith.addf %mul3A_325, %mul3A_332 : vector<16xf32>
      %get3A_334 = arith.index_cast %add3A_318 : i32 to index
      %get3A_335 = arith.constant 32 : index
      %get3A_336 = tpu.vector_load %arg7[%get3A_334, %get3A_335] {strides = array<i32>} : memref<512x64xf32, #tpu.memory_space<vmem>>, vector<16xf32>,
      %get3A_337 = arith.index_cast %add3A_318 : i32 to index
      %get3A_338 = arith.constant 32 : index
      %get3A_339 = tpu.vector_load %arg8[%get3A_337, %get3A_338] {strides = array<i32>} : memref<512x64xf32, #tpu.memory_space<vmem>>, vector<16xf32>,
      %mul3A_340 = arith.mulf %get3A_336, %get3A_339 : vector<16xf32>
      %add3A_341 = arith.addf %add3A_333, %mul3A_340 : vector<16xf32>
      %get3A_342 = arith.index_cast %add3A_318 : i32 to index
      %get3A_343 = arith.constant 48 : index
      %get3A_344 = tpu.vector_load %arg7[%get3A_342, %get3A_343] {strides = array<i32>} : memref<512x64xf32, #tpu.memory_space<vmem>>, vector<16xf32>,
      %get3A_345 = arith.index_cast %add3A_318 : i32 to index
      %get3A_346 = arith.constant 48 : index
      %get3A_347 = tpu.vector_load %arg8[%get3A_345, %get3A_346] {strides = array<i32>} : memref<512x64xf32, #tpu.memory_space<vmem>>, vector<16xf32>,
      %mul3A_348 = arith.mulf %get3A_344, %get3A_347 : vector<16xf32>
      %add3A_349 = arith.addf %add3A_341, %mul3A_348 : vector<16xf32>
      %swap3A_350 = arith.constant 128 : index
      %swap3A_351 = tpu.vector_load %arg10[%swap3A_350] {strides = array<i32>} : memref<256xf32, #tpu.memory_space<vmem>>, vector<16xf32>,
      tpu.vector_store %arg10[%swap3A_350], %add3A_349 {strides = array<i32>} : memref<256xf32, #tpu.memory_space<vmem>>, vector<16xf32>,
      %mul3A_352 = arith.constant 16 : i32
      %mul3A_353 = arith.muli %scan3A_20, %mul3A_352 : i32
      %add3A_354 = arith.constant 9 : i32
      %add3A_355 = arith.addi %mul3A_353, %add3A_354 : i32
      %get3A_356 = arith.index_cast %add3A_355 : i32 to index
      %get3A_357 = arith.constant 0 : index
      %get3A_358 = tpu.vector_load %arg7[%get3A_356, %get3A_357] {strides = array<i32>} : memref<512x64xf32, #tpu.memory_space<vmem>>, vector<16xf32>,
      %get3A_359 = arith.index_cast %add3A_355 : i32 to index
      %get3A_360 = arith.constant 0 : index
      %get3A_361 = tpu.vector_load %arg8[%get3A_359, %get3A_360] {strides = array<i32>} : memref<512x64xf32, #tpu.memory_space<vmem>>, vector<16xf32>,
      %mul3A_362 = arith.mulf %get3A_358, %get3A_361 : vector<16xf32>
      %get3A_363 = arith.index_cast %add3A_355 : i32 to index
      %get3A_364 = arith.constant 16 : index
      %get3A_365 = tpu.vector_load %arg7[%get3A_363, %get3A_364] {strides = array<i32>} : memref<512x64xf32, #tpu.memory_space<vmem>>, vector<16xf32>,
      %get3A_366 = arith.index_cast %add3A_355 : i32 to index
      %get3A_367 = arith.constant 16 : index
      %get3A_368 = tpu.vector_load %arg8[%get3A_366, %get3A_367] {strides = array<i32>} : memref<512x64xf32, #tpu.memory_space<vmem>>, vector<16xf32>,
      %mul3A_369 = arith.mulf %get3A_365, %get3A_368 : vector<16xf32>
      %add3A_370 = arith.addf %mul3A_362, %mul3A_369 : vector<16xf32>
      %get3A_371 = arith.index_cast %add3A_355 : i32 to index
      %get3A_372 = arith.constant 32 : index
      %get3A_373 = tpu.vector_load %arg7[%get3A_371, %get3A_372] {strides = array<i32>} : memref<512x64xf32, #tpu.memory_space<vmem>>, vector<16xf32>,
      %get3A_374 = arith.index_cast %add3A_355 : i32 to index
      %get3A_375 = arith.constant 32 : index
      %get3A_376 = tpu.vector_load %arg8[%get3A_374, %get3A_375] {strides = array<i32>} : memref<512x64xf32, #tpu.memory_space<vmem>>, vector<16xf32>,
      %mul3A_377 = arith.mulf %get3A_373, %get3A_376 : vector<16xf32>
      %add3A_378 = arith.addf %add3A_370, %mul3A_377 : vector<16xf32>
      %get3A_379 = arith.index_cast %add3A_355 : i32 to index
      %get3A_380 = arith.constant 48 : index
      %get3A_381 = tpu.vector_load %arg7[%get3A_379, %get3A_380] {strides = array<i32>} : memref<512x64xf32, #tpu.memory_space<vmem>>, vector<16xf32>,
      %get3A_382 = arith.index_cast %add3A_355 : i32 to index
      %get3A_383 = arith.constant 48 : index
      %get3A_384 = tpu.vector_load %arg8[%get3A_382, %get3A_383] {strides = array<i32>} : memref<512x64xf32, #tpu.memory_space<vmem>>, vector<16xf32>,
      %mul3A_385 = arith.mulf %get3A_381, %get3A_384 : vector<16xf32>
      %add3A_386 = arith.addf %add3A_378, %mul3A_385 : vector<16xf32>
      %swap3A_387 = arith.constant 144 : index
      %swap3A_388 = tpu.vector_load %arg10[%swap3A_387] {strides = array<i32>} : memref<256xf32, #tpu.memory_space<vmem>>, vector<16xf32>,
      tpu.vector_store %arg10[%swap3A_387], %add3A_386 {strides = array<i32>} : memref<256xf32, #tpu.memory_space<vmem>>, vector<16xf32>,
      %mul3A_389 = arith.constant 16 : i32
      %mul3A_390 = arith.muli %scan3A_20, %mul3A_389 : i32
      %add3A_391 = arith.constant 10 : i32
      %add3A_392 = arith.addi %mul3A_390, %add3A_391 : i32
      %get3A_393 = arith.index_cast %add3A_392 : i32 to index
      %get3A_394 = arith.constant 0 : index
      %get3A_395 = tpu.vector_load %arg7[%get3A_393, %get3A_394] {strides = array<i32>} : memref<512x64xf32, #tpu.memory_space<vmem>>, vector<16xf32>,
      %get3A_396 = arith.index_cast %add3A_392 : i32 to index
      %get3A_397 = arith.constant 0 : index
      %get3A_398 = tpu.vector_load %arg8[%get3A_396, %get3A_397] {strides = array<i32>} : memref<512x64xf32, #tpu.memory_space<vmem>>, vector<16xf32>,
      %mul3A_399 = arith.mulf %get3A_395, %get3A_398 : vector<16xf32>
      %get3A_400 = arith.index_cast %add3A_392 : i32 to index
      %get3A_401 = arith.constant 16 : index
      %get3A_402 = tpu.vector_load %arg7[%get3A_400, %get3A_401] {strides = array<i32>} : memref<512x64xf32, #tpu.memory_space<vmem>>, vector<16xf32>,
      %get3A_403 = arith.index_cast %add3A_392 : i32 to index
      %get3A_404 = arith.constant 16 : index
      %get3A_405 = tpu.vector_load %arg8[%get3A_403, %get3A_404] {strides = array<i32>} : memref<512x64xf32, #tpu.memory_space<vmem>>, vector<16xf32>,
      %mul3A_406 = arith.mulf %get3A_402, %get3A_405 : vector<16xf32>
      %add3A_407 = arith.addf %mul3A_399, %mul3A_406 : vector<16xf32>
      %get3A_408 = arith.index_cast %add3A_392 : i32 to index
      %get3A_409 = arith.constant 32 : index
      %get3A_410 = tpu.vector_load %arg7[%get3A_408, %get3A_409] {strides = array<i32>} : memref<512x64xf32, #tpu.memory_space<vmem>>, vector<16xf32>,
      %get3A_411 = arith.index_cast %add3A_392 : i32 to index
      %get3A_412 = arith.constant 32 : index
      %get3A_413 = tpu.vector_load %arg8[%get3A_411, %get3A_412] {strides = array<i32>} : memref<512x64xf32, #tpu.memory_space<vmem>>, vector<16xf32>,
      %mul3A_414 = arith.mulf %get3A_410, %get3A_413 : vector<16xf32>
      %add3A_415 = arith.addf %add3A_407, %mul3A_414 : vector<16xf32>
      %get3A_416 = arith.index_cast %add3A_392 : i32 to index
      %get3A_417 = arith.constant 48 : index
      %get3A_418 = tpu.vector_load %arg7[%get3A_416, %get3A_417] {strides = array<i32>} : memref<512x64xf32, #tpu.memory_space<vmem>>, vector<16xf32>,
      %get3A_419 = arith.index_cast %add3A_392 : i32 to index
      %get3A_420 = arith.constant 48 : index
      %get3A_421 = tpu.vector_load %arg8[%get3A_419, %get3A_420] {strides = array<i32>} : memref<512x64xf32, #tpu.memory_space<vmem>>, vector<16xf32>,
      %mul3A_422 = arith.mulf %get3A_418, %get3A_421 : vector<16xf32>
      %add3A_423 = arith.addf %add3A_415, %mul3A_422 : vector<16xf32>
      %swap3A_424 = arith.constant 160 : index
      %swap3A_425 = tpu.vector_load %arg10[%swap3A_424] {strides = array<i32>} : memref<256xf32, #tpu.memory_space<vmem>>, vector<16xf32>,
      tpu.vector_store %arg10[%swap3A_424], %add3A_423 {strides = array<i32>} : memref<256xf32, #tpu.memory_space<vmem>>, vector<16xf32>,
      %mul3A_426 = arith.constant 16 : i32
      %mul3A_427 = arith.muli %scan3A_20, %mul3A_426 : i32
      %add3A_428 = arith.constant 11 : i32
      %add3A_429 = arith.addi %mul3A_427, %add3A_428 : i32
      %get3A_430 = arith.index_cast %add3A_429 : i32 to index
      %get3A_431 = arith.constant 0 : index
      %get3A_432 = tpu.vector_load %arg7[%get3A_430, %get3A_431] {strides = array<i32>} : memref<512x64xf32, #tpu.memory_space<vmem>>, vector<16xf32>,
      %get3A_433 = arith.index_cast %add3A_429 : i32 to index
      %get3A_434 = arith.constant 0 : index
      %get3A_435 = tpu.vector_load %arg8[%get3A_433, %get3A_434] {strides = array<i32>} : memref<512x64xf32, #tpu.memory_space<vmem>>, vector<16xf32>,
      %mul3A_436 = arith.mulf %get3A_432, %get3A_435 : vector<16xf32>
      %get3A_437 = arith.index_cast %add3A_429 : i32 to index
      %get3A_438 = arith.constant 16 : index
      %get3A_439 = tpu.vector_load %arg7[%get3A_437, %get3A_438] {strides = array<i32>} : memref<512x64xf32, #tpu.memory_space<vmem>>, vector<16xf32>,
      %get3A_440 = arith.index_cast %add3A_429 : i32 to index
      %get3A_441 = arith.constant 16 : index
      %get3A_442 = tpu.vector_load %arg8[%get3A_440, %get3A_441] {strides = array<i32>} : memref<512x64xf32, #tpu.memory_space<vmem>>, vector<16xf32>,
      %mul3A_443 = arith.mulf %get3A_439, %get3A_442 : vector<16xf32>
      %add3A_444 = arith.addf %mul3A_436, %mul3A_443 : vector<16xf32>
      %get3A_445 = arith.index_cast %add3A_429 : i32 to index
      %get3A_446 = arith.constant 32 : index
      %get3A_447 = tpu.vector_load %arg7[%get3A_445, %get3A_446] {strides = array<i32>} : memref<512x64xf32, #tpu.memory_space<vmem>>, vector<16xf32>,
      %get3A_448 = arith.index_cast %add3A_429 : i32 to index
      %get3A_449 = arith.constant 32 : index
      %get3A_450 = tpu.vector_load %arg8[%get3A_448, %get3A_449] {strides = array<i32>} : memref<512x64xf32, #tpu.memory_space<vmem>>, vector<16xf32>,
      %mul3A_451 = arith.mulf %get3A_447, %get3A_450 : vector<16xf32>
      %add3A_452 = arith.addf %add3A_444, %mul3A_451 : vector<16xf32>
      %get3A_453 = arith.index_cast %add3A_429 : i32 to index
      %get3A_454 = arith.constant 48 : index
      %get3A_455 = tpu.vector_load %arg7[%get3A_453, %get3A_454] {strides = array<i32>} : memref<512x64xf32, #tpu.memory_space<vmem>>, vector<16xf32>,
      %get3A_456 = arith.index_cast %add3A_429 : i32 to index
      %get3A_457 = arith.constant 48 : index
      %get3A_458 = tpu.vector_load %arg8[%get3A_456, %get3A_457] {strides = array<i32>} : memref<512x64xf32, #tpu.memory_space<vmem>>, vector<16xf32>,
      %mul3A_459 = arith.mulf %get3A_455, %get3A_458 : vector<16xf32>
      %add3A_460 = arith.addf %add3A_452, %mul3A_459 : vector<16xf32>
      %swap3A_461 = arith.constant 176 : index
      %swap3A_462 = tpu.vector_load %arg10[%swap3A_461] {strides = array<i32>} : memref<256xf32, #tpu.memory_space<vmem>>, vector<16xf32>,
      tpu.vector_store %arg10[%swap3A_461], %add3A_460 {strides = array<i32>} : memref<256xf32, #tpu.memory_space<vmem>>, vector<16xf32>,
      %mul3A_463 = arith.constant 16 : i32
      %mul3A_464 = arith.muli %scan3A_20, %mul3A_463 : i32
      %add3A_465 = arith.constant 12 : i32
      %add3A_466 = arith.addi %mul3A_464, %add3A_465 : i32
      %get3A_467 = arith.index_cast %add3A_466 : i32 to index
      %get3A_468 = arith.constant 0 : index
      %get3A_469 = tpu.vector_load %arg7[%get3A_467, %get3A_468] {strides = array<i32>} : memref<512x64xf32, #tpu.memory_space<vmem>>, vector<16xf32>,
      %get3A_470 = arith.index_cast %add3A_466 : i32 to index
      %get3A_471 = arith.constant 0 : index
      %get3A_472 = tpu.vector_load %arg8[%get3A_470, %get3A_471] {strides = array<i32>} : memref<512x64xf32, #tpu.memory_space<vmem>>, vector<16xf32>,
      %mul3A_473 = arith.mulf %get3A_469, %get3A_472 : vector<16xf32>
      %get3A_474 = arith.index_cast %add3A_466 : i32 to index
      %get3A_475 = arith.constant 16 : index
      %get3A_476 = tpu.vector_load %arg7[%get3A_474, %get3A_475] {strides = array<i32>} : memref<512x64xf32, #tpu.memory_space<vmem>>, vector<16xf32>,
      %get3A_477 = arith.index_cast %add3A_466 : i32 to index
      %get3A_478 = arith.constant 16 : index
      %get3A_479 = tpu.vector_load %arg8[%get3A_477, %get3A_478] {strides = array<i32>} : memref<512x64xf32, #tpu.memory_space<vmem>>, vector<16xf32>,
      %mul3A_480 = arith.mulf %get3A_476, %get3A_479 : vector<16xf32>
      %add3A_481 = arith.addf %mul3A_473, %mul3A_480 : vector<16xf32>
      %get3A_482 = arith.index_cast %add3A_466 : i32 to index
      %get3A_483 = arith.constant 32 : index
      %get3A_484 = tpu.vector_load %arg7[%get3A_482, %get3A_483] {strides = array<i32>} : memref<512x64xf32, #tpu.memory_space<vmem>>, vector<16xf32>,
      %get3A_485 = arith.index_cast %add3A_466 : i32 to index
      %get3A_486 = arith.constant 32 : index
      %get3A_487 = tpu.vector_load %arg8[%get3A_485, %get3A_486] {strides = array<i32>} : memref<512x64xf32, #tpu.memory_space<vmem>>, vector<16xf32>,
      %mul3A_488 = arith.mulf %get3A_484, %get3A_487 : vector<16xf32>
      %add3A_489 = arith.addf %add3A_481, %mul3A_488 : vector<16xf32>
      %get3A_490 = arith.index_cast %add3A_466 : i32 to index
      %get3A_491 = arith.constant 48 : index
      %get3A_492 = tpu.vector_load %arg7[%get3A_490, %get3A_491] {strides = array<i32>} : memref<512x64xf32, #tpu.memory_space<vmem>>, vector<16xf32>,
      %get3A_493 = arith.index_cast %add3A_466 : i32 to index
      %get3A_494 = arith.constant 48 : index
      %get3A_495 = tpu.vector_load %arg8[%get3A_493, %get3A_494] {strides = array<i32>} : memref<512x64xf32, #tpu.memory_space<vmem>>, vector<16xf32>,
      %mul3A_496 = arith.mulf %get3A_492, %get3A_495 : vector<16xf32>
      %add3A_497 = arith.addf %add3A_489, %mul3A_496 : vector<16xf32>
      %swap3A_498 = arith.constant 192 : index
      %swap3A_499 = tpu.vector_load %arg10[%swap3A_498] {strides = array<i32>} : memref<256xf32, #tpu.memory_space<vmem>>, vector<16xf32>,
      tpu.vector_store %arg10[%swap3A_498], %add3A_497 {strides = array<i32>} : memref<256xf32, #tpu.memory_space<vmem>>, vector<16xf32>,
      %mul3A_500 = arith.constant 16 : i32
      %mul3A_501 = arith.muli %scan3A_20, %mul3A_500 : i32
      %add3A_502 = arith.constant 13 : i32
      %add3A_503 = arith.addi %mul3A_501, %add3A_502 : i32
      %get3A_504 = arith.index_cast %add3A_503 : i32 to index
      %get3A_505 = arith.constant 0 : index
      %get3A_506 = tpu.vector_load %arg7[%get3A_504, %get3A_505] {strides = array<i32>} : memref<512x64xf32, #tpu.memory_space<vmem>>, vector<16xf32>,
      %get3A_507 = arith.index_cast %add3A_503 : i32 to index
      %get3A_508 = arith.constant 0 : index
      %get3A_509 = tpu.vector_load %arg8[%get3A_507, %get3A_508] {strides = array<i32>} : memref<512x64xf32, #tpu.memory_space<vmem>>, vector<16xf32>,
      %mul3A_510 = arith.mulf %get3A_506, %get3A_509 : vector<16xf32>
      %get3A_511 = arith.index_cast %add3A_503 : i32 to index
      %get3A_512 = arith.constant 16 : index
      %get3A_513 = tpu.vector_load %arg7[%get3A_511, %get3A_512] {strides = array<i32>} : memref<512x64xf32, #tpu.memory_space<vmem>>, vector<16xf32>,
      %get3A_514 = arith.index_cast %add3A_503 : i32 to index
      %get3A_515 = arith.constant 16 : index
      %get3A_516 = tpu.vector_load %arg8[%get3A_514, %get3A_515] {strides = array<i32>} : memref<512x64xf32, #tpu.memory_space<vmem>>, vector<16xf32>,
      %mul3A_517 = arith.mulf %get3A_513, %get3A_516 : vector<16xf32>
      %add3A_518 = arith.addf %mul3A_510, %mul3A_517 : vector<16xf32>
      %get3A_519 = arith.index_cast %add3A_503 : i32 to index
      %get3A_520 = arith.constant 32 : index
      %get3A_521 = tpu.vector_load %arg7[%get3A_519, %get3A_520] {strides = array<i32>} : memref<512x64xf32, #tpu.memory_space<vmem>>, vector<16xf32>,
      %get3A_522 = arith.index_cast %add3A_503 : i32 to index
      %get3A_523 = arith.constant 32 : index
      %get3A_524 = tpu.vector_load %arg8[%get3A_522, %get3A_523] {strides = array<i32>} : memref<512x64xf32, #tpu.memory_space<vmem>>, vector<16xf32>,
      %mul3A_525 = arith.mulf %get3A_521, %get3A_524 : vector<16xf32>
      %add3A_526 = arith.addf %add3A_518, %mul3A_525 : vector<16xf32>
      %get3A_527 = arith.index_cast %add3A_503 : i32 to index
      %get3A_528 = arith.constant 48 : index
      %get3A_529 = tpu.vector_load %arg7[%get3A_527, %get3A_528] {strides = array<i32>} : memref<512x64xf32, #tpu.memory_space<vmem>>, vector<16xf32>,
      %get3A_530 = arith.index_cast %add3A_503 : i32 to index
      %get3A_531 = arith.constant 48 : index
      %get3A_532 = tpu.vector_load %arg8[%get3A_530, %get3A_531] {strides = array<i32>} : memref<512x64xf32, #tpu.memory_space<vmem>>, vector<16xf32>,
      %mul3A_533 = arith.mulf %get3A_529, %get3A_532 : vector<16xf32>
      %add3A_534 = arith.addf %add3A_526, %mul3A_533 : vector<16xf32>
      %swap3A_535 = arith.constant 208 : index
      %swap3A_536 = tpu.vector_load %arg10[%swap3A_535] {strides = array<i32>} : memref<256xf32, #tpu.memory_space<vmem>>, vector<16xf32>,
      tpu.vector_store %arg10[%swap3A_535], %add3A_534 {strides = array<i32>} : memref<256xf32, #tpu.memory_space<vmem>>, vector<16xf32>,
      %mul3A_537 = arith.constant 16 : i32
      %mul3A_538 = arith.muli %scan3A_20, %mul3A_537 : i32
      %add3A_539 = arith.constant 14 : i32
      %add3A_540 = arith.addi %mul3A_538, %add3A_539 : i32
      %get3A_541 = arith.index_cast %add3A_540 : i32 to index
      %get3A_542 = arith.constant 0 : index
      %get3A_543 = tpu.vector_load %arg7[%get3A_541, %get3A_542] {strides = array<i32>} : memref<512x64xf32, #tpu.memory_space<vmem>>, vector<16xf32>,
      %get3A_544 = arith.index_cast %add3A_540 : i32 to index
      %get3A_545 = arith.constant 0 : index
      %get3A_546 = tpu.vector_load %arg8[%get3A_544, %get3A_545] {strides = array<i32>} : memref<512x64xf32, #tpu.memory_space<vmem>>, vector<16xf32>,
      %mul3A_547 = arith.mulf %get3A_543, %get3A_546 : vector<16xf32>
      %get3A_548 = arith.index_cast %add3A_540 : i32 to index
      %get3A_549 = arith.constant 16 : index
      %get3A_550 = tpu.vector_load %arg7[%get3A_548, %get3A_549] {strides = array<i32>} : memref<512x64xf32, #tpu.memory_space<vmem>>, vector<16xf32>,
      %get3A_551 = arith.index_cast %add3A_540 : i32 to index
      %get3A_552 = arith.constant 16 : index
      %get3A_553 = tpu.vector_load %arg8[%get3A_551, %get3A_552] {strides = array<i32>} : memref<512x64xf32, #tpu.memory_space<vmem>>, vector<16xf32>,
      %mul3A_554 = arith.mulf %get3A_550, %get3A_553 : vector<16xf32>
      %add3A_555 = arith.addf %mul3A_547, %mul3A_554 : vector<16xf32>
      %get3A_556 = arith.index_cast %add3A_540 : i32 to index
      %get3A_557 = arith.constant 32 : index
      %get3A_558 = tpu.vector_load %arg7[%get3A_556, %get3A_557] {strides = array<i32>} : memref<512x64xf32, #tpu.memory_space<vmem>>, vector<16xf32>,
      %get3A_559 = arith.index_cast %add3A_540 : i32 to index
      %get3A_560 = arith.constant 32 : index
      %get3A_561 = tpu.vector_load %arg8[%get3A_559, %get3A_560] {strides = array<i32>} : memref<512x64xf32, #tpu.memory_space<vmem>>, vector<16xf32>,
      %mul3A_562 = arith.mulf %get3A_558, %get3A_561 : vector<16xf32>
      %add3A_563 = arith.addf %add3A_555, %mul3A_562 : vector<16xf32>
      %get3A_564 = arith.index_cast %add3A_540 : i32 to index
      %get3A_565 = arith.constant 48 : index
      %get3A_566 = tpu.vector_load %arg7[%get3A_564, %get3A_565] {strides = array<i32>} : memref<512x64xf32, #tpu.memory_space<vmem>>, vector<16xf32>,
      %get3A_567 = arith.index_cast %add3A_540 : i32 to index
      %get3A_568 = arith.constant 48 : index
      %get3A_569 = tpu.vector_load %arg8[%get3A_567, %get3A_568] {strides = array<i32>} : memref<512x64xf32, #tpu.memory_space<vmem>>, vector<16xf32>,
      %mul3A_570 = arith.mulf %get3A_566, %get3A_569 : vector<16xf32>
      %add3A_571 = arith.addf %add3A_563, %mul3A_570 : vector<16xf32>
      %swap3A_572 = arith.constant 224 : index
      %swap3A_573 = tpu.vector_load %arg10[%swap3A_572] {strides = array<i32>} : memref<256xf32, #tpu.memory_space<vmem>>, vector<16xf32>,
      tpu.vector_store %arg10[%swap3A_572], %add3A_571 {strides = array<i32>} : memref<256xf32, #tpu.memory_space<vmem>>, vector<16xf32>,
      %mul3A_574 = arith.constant 16 : i32
      %mul3A_575 = arith.muli %scan3A_20, %mul3A_574 : i32
      %add3A_576 = arith.constant 15 : i32
      %add3A_577 = arith.addi %mul3A_575, %add3A_576 : i32
      %get3A_578 = arith.index_cast %add3A_577 : i32 to index
      %get3A_579 = arith.constant 0 : index
      %get3A_580 = tpu.vector_load %arg7[%get3A_578, %get3A_579] {strides = array<i32>} : memref<512x64xf32, #tpu.memory_space<vmem>>, vector<16xf32>,
      %get3A_581 = arith.index_cast %add3A_577 : i32 to index
      %get3A_582 = arith.constant 0 : index
      %get3A_583 = tpu.vector_load %arg8[%get3A_581, %get3A_582] {strides = array<i32>} : memref<512x64xf32, #tpu.memory_space<vmem>>, vector<16xf32>,
      %mul3A_584 = arith.mulf %get3A_580, %get3A_583 : vector<16xf32>
      %get3A_585 = arith.index_cast %add3A_577 : i32 to index
      %get3A_586 = arith.constant 16 : index
      %get3A_587 = tpu.vector_load %arg7[%get3A_585, %get3A_586] {strides = array<i32>} : memref<512x64xf32, #tpu.memory_space<vmem>>, vector<16xf32>,
      %get3A_588 = arith.index_cast %add3A_577 : i32 to index
      %get3A_589 = arith.constant 16 : index
      %get3A_590 = tpu.vector_load %arg8[%get3A_588, %get3A_589] {strides = array<i32>} : memref<512x64xf32, #tpu.memory_space<vmem>>, vector<16xf32>,
      %mul3A_591 = arith.mulf %get3A_587, %get3A_590 : vector<16xf32>
      %add3A_592 = arith.addf %mul3A_584, %mul3A_591 : vector<16xf32>
      %get3A_593 = arith.index_cast %add3A_577 : i32 to index
      %get3A_594 = arith.constant 32 : index
      %get3A_595 = tpu.vector_load %arg7[%get3A_593, %get3A_594] {strides = array<i32>} : memref<512x64xf32, #tpu.memory_space<vmem>>, vector<16xf32>,
      %get3A_596 = arith.index_cast %add3A_577 : i32 to index
      %get3A_597 = arith.constant 32 : index
      %get3A_598 = tpu.vector_load %arg8[%get3A_596, %get3A_597] {strides = array<i32>} : memref<512x64xf32, #tpu.memory_space<vmem>>, vector<16xf32>,
      %mul3A_599 = arith.mulf %get3A_595, %get3A_598 : vector<16xf32>
      %add3A_600 = arith.addf %add3A_592, %mul3A_599 : vector<16xf32>
      %get3A_601 = arith.index_cast %add3A_577 : i32 to index
      %get3A_602 = arith.constant 48 : index
      %get3A_603 = tpu.vector_load %arg7[%get3A_601, %get3A_602] {strides = array<i32>} : memref<512x64xf32, #tpu.memory_space<vmem>>, vector<16xf32>,
      %get3A_604 = arith.index_cast %add3A_577 : i32 to index
      %get3A_605 = arith.constant 48 : index
      %get3A_606 = tpu.vector_load %arg8[%get3A_604, %get3A_605] {strides = array<i32>} : memref<512x64xf32, #tpu.memory_space<vmem>>, vector<16xf32>,
      %mul3A_607 = arith.mulf %get3A_603, %get3A_606 : vector<16xf32>
      %add3A_608 = arith.addf %add3A_600, %mul3A_607 : vector<16xf32>
      %swap3A_609 = arith.constant 240 : index
      %swap3A_610 = tpu.vector_load %arg10[%swap3A_609] {strides = array<i32>} : memref<256xf32, #tpu.memory_space<vmem>>, vector<16xf32>,
      tpu.vector_store %arg10[%swap3A_609], %add3A_608 {strides = array<i32>} : memref<256xf32, #tpu.memory_space<vmem>>, vector<16xf32>,
      %broadcast_in_dim3A = arith.constant 0.000000e+00 : f32
      %broadcast_in_dim3A_611 = vector.broadcast %broadcast_in_dim3A : f32 to vector<16xf32>
      %mul3A_612 = arith.constant 16 : i32
      %mul3A_613 = vector.broadcast %mul3A_612 : i32 to vector<16xi32>
      %mul3A_614 = arith.muli %iota3A, %mul3A_613 : vector<16xi32>
      %add3A_615 = arith.constant 0 : i32
      %add3A_616 = vector.broadcast %add3A_615 : i32 to vector<16xi32>
      %add3A_617 = arith.addi %mul3A_614, %add3A_616 : vector<16xi32>
      %gather3A = tpu.vector_load_idx %arg10[%add3A_617] : memref<256xf32, #tpu.memory_space<vmem>>[vector<16xi32>], vector<16xf32>,
      %add3A_618 = arith.addf %broadcast_in_dim3A_611, %gather3A : vector<16xf32>
      %mul3A_619 = arith.constant 16 : i32
      %mul3A_620 = vector.broadcast %mul3A_619 : i32 to vector<16xi32>
      %mul3A_621 = arith.muli %iota3A, %mul3A_620 : vector<16xi32>
      %add3A_622 = arith.constant 1 : i32
      %add3A_623 = vector.broadcast %add3A_622 : i32 to vector<16xi32>
      %add3A_624 = arith.addi %mul3A_621, %add3A_623 : vector<16xi32>
      %gather3A_625 = tpu.vector_load_idx %arg10[%add3A_624] : memref<256xf32, #tpu.memory_space<vmem>>[vector<16xi32>], vector<16xf32>,
      %add3A_626 = arith.addf %add3A_618, %gather3A_625 : vector<16xf32>
      %mul3A_627 = arith.constant 16 : i32
      %mul3A_628 = vector.broadcast %mul3A_627 : i32 to vector<16xi32>
      %mul3A_629 = arith.muli %iota3A, %mul3A_628 : vector<16xi32>
      %add3A_630 = arith.constant 2 : i32
      %add3A_631 = vector.broadcast %add3A_630 : i32 to vector<16xi32>
      %add3A_632 = arith.addi %mul3A_629, %add3A_631 : vector<16xi32>
      %gather3A_633 = tpu.vector_load_idx %arg10[%add3A_632] : memref<256xf32, #tpu.memory_space<vmem>>[vector<16xi32>], vector<16xf32>,
      %add3A_634 = arith.addf %add3A_626, %gather3A_633 : vector<16xf32>
      %mul3A_635 = arith.constant 16 : i32
      %mul3A_636 = vector.broadcast %mul3A_635 : i32 to vector<16xi32>
      %mul3A_637 = arith.muli %iota3A, %mul3A_636 : vector<16xi32>
      %add3A_638 = arith.constant 3 : i32
      %add3A_639 = vector.broadcast %add3A_638 : i32 to vector<16xi32>
      %add3A_640 = arith.addi %mul3A_637, %add3A_639 : vector<16xi32>
      %gather3A_641 = tpu.vector_load_idx %arg10[%add3A_640] : memref<256xf32, #tpu.memory_space<vmem>>[vector<16xi32>], vector<16xf32>,
      %add3A_642 = arith.addf %add3A_634, %gather3A_641 : vector<16xf32>
      %mul3A_643 = arith.constant 16 : i32
      %mul3A_644 = vector.broadcast %mul3A_643 : i32 to vector<16xi32>
      %mul3A_645 = arith.muli %iota3A, %mul3A_644 : vector<16xi32>
      %add3A_646 = arith.constant 4 : i32
      %add3A_647 = vector.broadcast %add3A_646 : i32 to vector<16xi32>
      %add3A_648 = arith.addi %mul3A_645, %add3A_647 : vector<16xi32>
      %gather3A_649 = tpu.vector_load_idx %arg10[%add3A_648] : memref<256xf32, #tpu.memory_space<vmem>>[vector<16xi32>], vector<16xf32>,
      %add3A_650 = arith.addf %add3A_642, %gather3A_649 : vector<16xf32>
      %mul3A_651 = arith.constant 16 : i32
      %mul3A_652 = vector.broadcast %mul3A_651 : i32 to vector<16xi32>
      %mul3A_653 = arith.muli %iota3A, %mul3A_652 : vector<16xi32>
      %add3A_654 = arith.constant 5 : i32
      %add3A_655 = vector.broadcast %add3A_654 : i32 to vector<16xi32>
      %add3A_656 = arith.addi %mul3A_653, %add3A_655 : vector<16xi32>
      %gather3A_657 = tpu.vector_load_idx %arg10[%add3A_656] : memref<256xf32, #tpu.memory_space<vmem>>[vector<16xi32>], vector<16xf32>,
      %add3A_658 = arith.addf %add3A_650, %gather3A_657 : vector<16xf32>
      %mul3A_659 = arith.constant 16 : i32
      %mul3A_660 = vector.broadcast %mul3A_659 : i32 to vector<16xi32>
      %mul3A_661 = arith.muli %iota3A, %mul3A_660 : vector<16xi32>
      %add3A_662 = arith.constant 6 : i32
      %add3A_663 = vector.broadcast %add3A_662 : i32 to vector<16xi32>
      %add3A_664 = arith.addi %mul3A_661, %add3A_663 : vector<16xi32>
      %gather3A_665 = tpu.vector_load_idx %arg10[%add3A_664] : memref<256xf32, #tpu.memory_space<vmem>>[vector<16xi32>], vector<16xf32>,
      %add3A_666 = arith.addf %add3A_658, %gather3A_665 : vector<16xf32>
      %mul3A_667 = arith.constant 16 : i32
      %mul3A_668 = vector.broadcast %mul3A_667 : i32 to vector<16xi32>
      %mul3A_669 = arith.muli %iota3A, %mul3A_668 : vector<16xi32>
      %add3A_670 = arith.constant 7 : i32
      %add3A_671 = vector.broadcast %add3A_670 : i32 to vector<16xi32>
      %add3A_672 = arith.addi %mul3A_669, %add3A_671 : vector<16xi32>
      %gather3A_673 = tpu.vector_load_idx %arg10[%add3A_672] : memref<256xf32, #tpu.memory_space<vmem>>[vector<16xi32>], vector<16xf32>,
      %add3A_674 = arith.addf %add3A_666, %gather3A_673 : vector<16xf32>
      %mul3A_675 = arith.constant 16 : i32
      %mul3A_676 = vector.broadcast %mul3A_675 : i32 to vector<16xi32>
      %mul3A_677 = arith.muli %iota3A, %mul3A_676 : vector<16xi32>
      %add3A_678 = arith.constant 8 : i32
      %add3A_679 = vector.broadcast %add3A_678 : i32 to vector<16xi32>
      %add3A_680 = arith.addi %mul3A_677, %add3A_679 : vector<16xi32>
      %gather3A_681 = tpu.vector_load_idx %arg10[%add3A_680] : memref<256xf32, #tpu.memory_space<vmem>>[vector<16xi32>], vector<16xf32>,
      %add3A_682 = arith.addf %add3A_674, %gather3A_681 : vector<16xf32>
      %mul3A_683 = arith.constant 16 : i32
      %mul3A_684 = vector.broadcast %mul3A_683 : i32 to vector<16xi32>
      %mul3A_685 = arith.muli %iota3A, %mul3A_684 : vector<16xi32>
      %add3A_686 = arith.constant 9 : i32
      %add3A_687 = vector.broadcast %add3A_686 : i32 to vector<16xi32>
      %add3A_688 = arith.addi %mul3A_685, %add3A_687 : vector<16xi32>
      %gather3A_689 = tpu.vector_load_idx %arg10[%add3A_688] : memref<256xf32, #tpu.memory_space<vmem>>[vector<16xi32>], vector<16xf32>,
      %add3A_690 = arith.addf %add3A_682, %gather3A_689 : vector<16xf32>
      %mul3A_691 = arith.constant 16 : i32
      %mul3A_692 = vector.broadcast %mul3A_691 : i32 to vector<16xi32>
      %mul3A_693 = arith.muli %iota3A, %mul3A_692 : vector<16xi32>
      %add3A_694 = arith.constant 10 : i32
      %add3A_695 = vector.broadcast %add3A_694 : i32 to vector<16xi32>
      %add3A_696 = arith.addi %mul3A_693, %add3A_695 : vector<16xi32>
      %gather3A_697 = tpu.vector_load_idx %arg10[%add3A_696] : memref<256xf32, #tpu.memory_space<vmem>>[vector<16xi32>], vector<16xf32>,
      %add3A_698 = arith.addf %add3A_690, %gather3A_697 : vector<16xf32>
      %mul3A_699 = arith.constant 16 : i32
      %mul3A_700 = vector.broadcast %mul3A_699 : i32 to vector<16xi32>
      %mul3A_701 = arith.muli %iota3A, %mul3A_700 : vector<16xi32>
      %add3A_702 = arith.constant 11 : i32
      %add3A_703 = vector.broadcast %add3A_702 : i32 to vector<16xi32>
      %add3A_704 = arith.addi %mul3A_701, %add3A_703 : vector<16xi32>
      %gather3A_705 = tpu.vector_load_idx %arg10[%add3A_704] : memref<256xf32, #tpu.memory_space<vmem>>[vector<16xi32>], vector<16xf32>,
      %add3A_706 = arith.addf %add3A_698, %gather3A_705 : vector<16xf32>
      %mul3A_707 = arith.constant 16 : i32
      %mul3A_708 = vector.broadcast %mul3A_707 : i32 to vector<16xi32>
      %mul3A_709 = arith.muli %iota3A, %mul3A_708 : vector<16xi32>
      %add3A_710 = arith.constant 12 : i32
      %add3A_711 = vector.broadcast %add3A_710 : i32 to vector<16xi32>
      %add3A_712 = arith.addi %mul3A_709, %add3A_711 : vector<16xi32>
      %gather3A_713 = tpu.vector_load_idx %arg10[%add3A_712] : memref<256xf32, #tpu.memory_space<vmem>>[vector<16xi32>], vector<16xf32>,
      %add3A_714 = arith.addf %add3A_706, %gather3A_713 : vector<16xf32>
      %mul3A_715 = arith.constant 16 : i32
      %mul3A_716 = vector.broadcast %mul3A_715 : i32 to vector<16xi32>
      %mul3A_717 = arith.muli %iota3A, %mul3A_716 : vector<16xi32>
      %add3A_718 = arith.constant 13 : i32
      %add3A_719 = vector.broadcast %add3A_718 : i32 to vector<16xi32>
      %add3A_720 = arith.addi %mul3A_717, %add3A_719 : vector<16xi32>
      %gather3A_721 = tpu.vector_load_idx %arg10[%add3A_720] : memref<256xf32, #tpu.memory_space<vmem>>[vector<16xi32>], vector<16xf32>,
      %add3A_722 = arith.addf %add3A_714, %gather3A_721 : vector<16xf32>
      %mul3A_723 = arith.constant 16 : i32
      %mul3A_724 = vector.broadcast %mul3A_723 : i32 to vector<16xi32>
      %mul3A_725 = arith.muli %iota3A, %mul3A_724 : vector<16xi32>
      %add3A_726 = arith.constant 14 : i32
      %add3A_727 = vector.broadcast %add3A_726 : i32 to vector<16xi32>
      %add3A_728 = arith.addi %mul3A_725, %add3A_727 : vector<16xi32>
      %gather3A_729 = tpu.vector_load_idx %arg10[%add3A_728] : memref<256xf32, #tpu.memory_space<vmem>>[vector<16xi32>], vector<16xf32>,
      %add3A_730 = arith.addf %add3A_722, %gather3A_729 : vector<16xf32>
      %mul3A_731 = arith.constant 16 : i32
      %mul3A_732 = vector.broadcast %mul3A_731 : i32 to vector<16xi32>
      %mul3A_733 = arith.muli %iota3A, %mul3A_732 : vector<16xi32>
      %add3A_734 = arith.constant 15 : i32
      %add3A_735 = vector.broadcast %add3A_734 : i32 to vector<16xi32>
      %add3A_736 = arith.addi %mul3A_733, %add3A_735 : vector<16xi32>
      %gather3A_737 = tpu.vector_load_idx %arg10[%add3A_736] : memref<256xf32, #tpu.memory_space<vmem>>[vector<16xi32>], vector<16xf32>,
      %add3A_738 = arith.addf %add3A_730, %gather3A_737 : vector<16xf32>
      %mul3A_739 = arith.constant 16 : i32
      %mul3A_740 = arith.muli %scan3A_20, %mul3A_739 : i32
      %swap3A_741 = arith.index_cast %mul3A_740 : i32 to index
      %swap3A_742 = tpu.vector_load %arg9[%swap3A_741] {strides = array<i32>} : memref<512xf32, #tpu.memory_space<vmem>>, vector<16xf32>,
      tpu.vector_store %arg9[%swap3A_741], %add3A_738 {strides = array<i32>} : memref<512xf32, #tpu.memory_space<vmem>>, vector<16xf32>,
    }
    %scan3A_19 = arith.constant 32 : i32
    "tpu.region"() ({
      %run_scoped3A = tpu.sem_alloc : memref<!tpu.dma_semaphore, #tpu.memory_space<semaphore_mem>>
      %dma_start3A_20 = tpu.memref_slice %arg5[%mul3A_2] : memref<16384xf32, #tpu.memory_space<hbm>> -> memref<512xf32, #tpu.memory_space<hbm>>
      %dma_start3A_21 = tpu.memref_slice %arg5[%mul3A_2] : memref<16384xf32, #tpu.memory_space<hbm>> -> memref<512xf32, #tpu.memory_space<hbm>>
      tpu.enqueue_dma source(%arg9 : memref<512xf32, #tpu.memory_space<vmem>>) target(%dma_start3A_21 : memref<512xf32, #tpu.memory_space<hbm>>) target_semaphore(%run_scoped3A : memref<!tpu.dma_semaphore, #tpu.memory_space<semaphore_mem>>)
      %dma_wait3A_22 = tpu.memref_slice %arg5[%mul3A_2] : memref<16384xf32, #tpu.memory_space<hbm>> -> memref<512xf32, #tpu.memory_space<hbm>>
      %dma_wait3A_23 = tpu.memref_slice %arg5[%mul3A_2] : memref<16384xf32, #tpu.memory_space<hbm>> -> memref<512xf32, #tpu.memory_space<hbm>>
      tpu.wait_dma2 semaphore(%run_scoped3A : memref<!tpu.dma_semaphore, #tpu.memory_space<semaphore_mem>>) src(%arg9 : memref<512xf32, #tpu.memory_space<vmem>>) dst(%dma_wait3A_23 : memref<512xf32, #tpu.memory_space<hbm>>)
      tpu.yield
    }) : () -> ()
    return
  }
}

#map = affine_map<(d0, d1) -> (0)>
#map1 = affine_map<(d0, d1) -> (0, 0)>
module attributes {stable_mosaic.version = 14 : i64} {
  func.func @ku(%arg0: i32, %arg1: i32, %arg2: memref<16384xi32, #tpu.memory_space<hbm>>, %arg3: memref<1000000x64xf32, #tpu.memory_space<hbm>>, %arg4: memref<16384x64xf32, #tpu.memory_space<hbm>>, %arg5: memref<512xi32, #tpu.memory_space<vmem>>, %arg6: memref<256x64xf32, #tpu.memory_space<vmem>>, %arg7: memref<!tpu.dma_semaphore, #tpu.memory_space<semaphore_mem>>) attributes {dimension_semantics = [#tpu.dimension_semantics<core_parallel>, #tpu.dimension_semantics<subcore_parallel>], iteration_bounds = array<i64: 2, 16>, scalar_prefetch = 0 : i64, scratch_operands = 3 : i64, tpu.core_type = #tpu.core_type<sc_vector_subcore>, window_params = [{transform_indices = #map}, {transform_indices = #map1}, {transform_indices = #map1}]} {
    %mul3A = arith.constant 2 : i32
    %mul3A_0 = arith.muli %arg1, %mul3A : i32
    %add3A = arith.addi %mul3A_0, %arg0 : i32
    %mul3A_1 = arith.constant 512 : i32
    %mul3A_2 = arith.muli %add3A, %mul3A_1 : i32
    "tpu.region"() ({
      %run_scoped3A = tpu.sem_alloc : memref<!tpu.dma_semaphore, #tpu.memory_space<semaphore_mem>>
      %dma_start3A = tpu.memref_slice %arg2[%mul3A_2] : memref<16384xi32, #tpu.memory_space<hbm>> -> memref<512xi32, #tpu.memory_space<hbm>>
      %dma_start3A_8 = tpu.memref_slice %arg2[%mul3A_2] : memref<16384xi32, #tpu.memory_space<hbm>> -> memref<512xi32, #tpu.memory_space<hbm>>
      tpu.enqueue_dma source(%dma_start3A_8 : memref<512xi32, #tpu.memory_space<hbm>>) target(%arg5 : memref<512xi32, #tpu.memory_space<vmem>>) target_semaphore(%run_scoped3A : memref<!tpu.dma_semaphore, #tpu.memory_space<semaphore_mem>>)
      %dma_wait3A = tpu.memref_slice %arg2[%mul3A_2] : memref<16384xi32, #tpu.memory_space<hbm>> -> memref<512xi32, #tpu.memory_space<hbm>>
      %dma_wait3A_9 = tpu.memref_slice %arg2[%mul3A_2] : memref<16384xi32, #tpu.memory_space<hbm>> -> memref<512xi32, #tpu.memory_space<hbm>>
      tpu.wait_dma2 semaphore(%run_scoped3A : memref<!tpu.dma_semaphore, #tpu.memory_space<semaphore_mem>>) src(%dma_wait3A_9 : memref<512xi32, #tpu.memory_space<hbm>>) dst(%arg5 : memref<512xi32, #tpu.memory_space<vmem>>)
      tpu.yield
    }) : () -> ()
    %scan3A = arith.constant 0 : i32
    %scan3A_3 = arith.constant 0 : i32
    %scan3A_4 = arith.constant 2 : i32
    %scan3A_5 = arith.addi %scan3A_3, %scan3A_4 : i32
    %scan3A_6 = arith.constant 1 : i32
    scf.for %scan3A_8 = %scan3A_3 to %scan3A_5 step %scan3A_6  : i32 {
      %mul3A_9 = arith.constant 256 : i32
      %mul3A_10 = arith.muli %scan3A_8, %mul3A_9 : i32
      %scan3A_11 = arith.constant 0 : i32
      %scan3A_12 = arith.constant 0 : i32
      %scan3A_13 = arith.constant 16 : i32
      %scan3A_14 = arith.addi %scan3A_12, %scan3A_13 : i32
      %scan3A_15 = arith.constant 1 : i32
      scf.for %scan3A_24 = %scan3A_12 to %scan3A_14 step %scan3A_15  : i32 {
        %mul3A_25 = arith.constant 16 : i32
        %mul3A_26 = arith.muli %scan3A_24, %mul3A_25 : i32
        %add3A_27 = arith.addi %mul3A_10, %mul3A_26 : i32
        %get3A = arith.index_cast %add3A_27 : i32 to index
        %get3A_28 = tpu.vector_load %arg5[%get3A] {strides = array<i32>} : memref<512xi32, #tpu.memory_space<vmem>>, vector<16xi32>,
        %slice3A = vector.extract_strided_slice %get3A_28 {offsets = [0], sizes = [1], strides = [1]} : vector<16xi32> to vector<1xi32>
        %squeeze3A = vector.extract %slice3A[0] : i32 from vector<1xi32>
        %mul3A_29 = arith.constant 16 : i32
        %mul3A_30 = arith.muli %scan3A_24, %mul3A_29 : i32
        %add3A_31 = arith.constant 0 : i32
        %add3A_32 = arith.addi %mul3A_30, %add3A_31 : i32
        %dma_start3A = arith.constant 0 : i32
        %dma_start3A_33 = tpu.memref_slice %arg6[%add3A_32, %dma_start3A] : memref<256x64xf32, #tpu.memory_space<vmem>> -> memref<1x64xf32, #tpu.memory_space<vmem>>
        %dma_start3A_34 = arith.constant 0 : i32
        %dma_start3A_35 = tpu.memref_slice %arg3[%squeeze3A, %dma_start3A_34] : memref<1000000x64xf32, #tpu.memory_space<hbm>> -> memref<1x64xf32, #tpu.memory_space<hbm>>
        %dma_start3A_36 = arith.constant 0 : i32
        %dma_start3A_37 = tpu.memref_slice %arg6[%add3A_32, %dma_start3A_36] : memref<256x64xf32, #tpu.memory_space<vmem>> -> memref<1x64xf32, #tpu.memory_space<vmem>>
        %dma_start3A_38 = arith.constant 0 : i32
        %dma_start3A_39 = tpu.memref_slice %arg3[%squeeze3A, %dma_start3A_38] : memref<1000000x64xf32, #tpu.memory_space<hbm>> -> memref<1x64xf32, #tpu.memory_space<hbm>>
        tpu.enqueue_dma source(%dma_start3A_39 : memref<1x64xf32, #tpu.memory_space<hbm>>) target(%dma_start3A_37 : memref<1x64xf32, #tpu.memory_space<vmem>>) target_semaphore(%arg7 : memref<!tpu.dma_semaphore, #tpu.memory_space<semaphore_mem>>)
        %slice3A_40 = vector.extract_strided_slice %get3A_28 {offsets = [1], sizes = [1], strides = [1]} : vector<16xi32> to vector<1xi32>
        %squeeze3A_41 = vector.extract %slice3A_40[0] : i32 from vector<1xi32>
        %mul3A_42 = arith.constant 16 : i32
        %mul3A_43 = arith.muli %scan3A_24, %mul3A_42 : i32
        %add3A_44 = arith.constant 1 : i32
        %add3A_45 = arith.addi %mul3A_43, %add3A_44 : i32
        %dma_start3A_46 = arith.constant 0 : i32
        %dma_start3A_47 = tpu.memref_slice %arg6[%add3A_45, %dma_start3A_46] : memref<256x64xf32, #tpu.memory_space<vmem>> -> memref<1x64xf32, #tpu.memory_space<vmem>>
        %dma_start3A_48 = arith.constant 0 : i32
        %dma_start3A_49 = tpu.memref_slice %arg3[%squeeze3A_41, %dma_start3A_48] : memref<1000000x64xf32, #tpu.memory_space<hbm>> -> memref<1x64xf32, #tpu.memory_space<hbm>>
        %dma_start3A_50 = arith.constant 0 : i32
        %dma_start3A_51 = tpu.memref_slice %arg6[%add3A_45, %dma_start3A_50] : memref<256x64xf32, #tpu.memory_space<vmem>> -> memref<1x64xf32, #tpu.memory_space<vmem>>
        %dma_start3A_52 = arith.constant 0 : i32
        %dma_start3A_53 = tpu.memref_slice %arg3[%squeeze3A_41, %dma_start3A_52] : memref<1000000x64xf32, #tpu.memory_space<hbm>> -> memref<1x64xf32, #tpu.memory_space<hbm>>
        tpu.enqueue_dma source(%dma_start3A_53 : memref<1x64xf32, #tpu.memory_space<hbm>>) target(%dma_start3A_51 : memref<1x64xf32, #tpu.memory_space<vmem>>) target_semaphore(%arg7 : memref<!tpu.dma_semaphore, #tpu.memory_space<semaphore_mem>>)
        %slice3A_54 = vector.extract_strided_slice %get3A_28 {offsets = [2], sizes = [1], strides = [1]} : vector<16xi32> to vector<1xi32>
        %squeeze3A_55 = vector.extract %slice3A_54[0] : i32 from vector<1xi32>
        %mul3A_56 = arith.constant 16 : i32
        %mul3A_57 = arith.muli %scan3A_24, %mul3A_56 : i32
        %add3A_58 = arith.constant 2 : i32
        %add3A_59 = arith.addi %mul3A_57, %add3A_58 : i32
        %dma_start3A_60 = arith.constant 0 : i32
        %dma_start3A_61 = tpu.memref_slice %arg6[%add3A_59, %dma_start3A_60] : memref<256x64xf32, #tpu.memory_space<vmem>> -> memref<1x64xf32, #tpu.memory_space<vmem>>
        %dma_start3A_62 = arith.constant 0 : i32
        %dma_start3A_63 = tpu.memref_slice %arg3[%squeeze3A_55, %dma_start3A_62] : memref<1000000x64xf32, #tpu.memory_space<hbm>> -> memref<1x64xf32, #tpu.memory_space<hbm>>
        %dma_start3A_64 = arith.constant 0 : i32
        %dma_start3A_65 = tpu.memref_slice %arg6[%add3A_59, %dma_start3A_64] : memref<256x64xf32, #tpu.memory_space<vmem>> -> memref<1x64xf32, #tpu.memory_space<vmem>>
        %dma_start3A_66 = arith.constant 0 : i32
        %dma_start3A_67 = tpu.memref_slice %arg3[%squeeze3A_55, %dma_start3A_66] : memref<1000000x64xf32, #tpu.memory_space<hbm>> -> memref<1x64xf32, #tpu.memory_space<hbm>>
        tpu.enqueue_dma source(%dma_start3A_67 : memref<1x64xf32, #tpu.memory_space<hbm>>) target(%dma_start3A_65 : memref<1x64xf32, #tpu.memory_space<vmem>>) target_semaphore(%arg7 : memref<!tpu.dma_semaphore, #tpu.memory_space<semaphore_mem>>)
        %slice3A_68 = vector.extract_strided_slice %get3A_28 {offsets = [3], sizes = [1], strides = [1]} : vector<16xi32> to vector<1xi32>
        %squeeze3A_69 = vector.extract %slice3A_68[0] : i32 from vector<1xi32>
        %mul3A_70 = arith.constant 16 : i32
        %mul3A_71 = arith.muli %scan3A_24, %mul3A_70 : i32
        %add3A_72 = arith.constant 3 : i32
        %add3A_73 = arith.addi %mul3A_71, %add3A_72 : i32
        %dma_start3A_74 = arith.constant 0 : i32
        %dma_start3A_75 = tpu.memref_slice %arg6[%add3A_73, %dma_start3A_74] : memref<256x64xf32, #tpu.memory_space<vmem>> -> memref<1x64xf32, #tpu.memory_space<vmem>>
        %dma_start3A_76 = arith.constant 0 : i32
        %dma_start3A_77 = tpu.memref_slice %arg3[%squeeze3A_69, %dma_start3A_76] : memref<1000000x64xf32, #tpu.memory_space<hbm>> -> memref<1x64xf32, #tpu.memory_space<hbm>>
        %dma_start3A_78 = arith.constant 0 : i32
        %dma_start3A_79 = tpu.memref_slice %arg6[%add3A_73, %dma_start3A_78] : memref<256x64xf32, #tpu.memory_space<vmem>> -> memref<1x64xf32, #tpu.memory_space<vmem>>
        %dma_start3A_80 = arith.constant 0 : i32
        %dma_start3A_81 = tpu.memref_slice %arg3[%squeeze3A_69, %dma_start3A_80] : memref<1000000x64xf32, #tpu.memory_space<hbm>> -> memref<1x64xf32, #tpu.memory_space<hbm>>
        tpu.enqueue_dma source(%dma_start3A_81 : memref<1x64xf32, #tpu.memory_space<hbm>>) target(%dma_start3A_79 : memref<1x64xf32, #tpu.memory_space<vmem>>) target_semaphore(%arg7 : memref<!tpu.dma_semaphore, #tpu.memory_space<semaphore_mem>>)
        %slice3A_82 = vector.extract_strided_slice %get3A_28 {offsets = [4], sizes = [1], strides = [1]} : vector<16xi32> to vector<1xi32>
        %squeeze3A_83 = vector.extract %slice3A_82[0] : i32 from vector<1xi32>
        %mul3A_84 = arith.constant 16 : i32
        %mul3A_85 = arith.muli %scan3A_24, %mul3A_84 : i32
        %add3A_86 = arith.constant 4 : i32
        %add3A_87 = arith.addi %mul3A_85, %add3A_86 : i32
        %dma_start3A_88 = arith.constant 0 : i32
        %dma_start3A_89 = tpu.memref_slice %arg6[%add3A_87, %dma_start3A_88] : memref<256x64xf32, #tpu.memory_space<vmem>> -> memref<1x64xf32, #tpu.memory_space<vmem>>
        %dma_start3A_90 = arith.constant 0 : i32
        %dma_start3A_91 = tpu.memref_slice %arg3[%squeeze3A_83, %dma_start3A_90] : memref<1000000x64xf32, #tpu.memory_space<hbm>> -> memref<1x64xf32, #tpu.memory_space<hbm>>
        %dma_start3A_92 = arith.constant 0 : i32
        %dma_start3A_93 = tpu.memref_slice %arg6[%add3A_87, %dma_start3A_92] : memref<256x64xf32, #tpu.memory_space<vmem>> -> memref<1x64xf32, #tpu.memory_space<vmem>>
        %dma_start3A_94 = arith.constant 0 : i32
        %dma_start3A_95 = tpu.memref_slice %arg3[%squeeze3A_83, %dma_start3A_94] : memref<1000000x64xf32, #tpu.memory_space<hbm>> -> memref<1x64xf32, #tpu.memory_space<hbm>>
        tpu.enqueue_dma source(%dma_start3A_95 : memref<1x64xf32, #tpu.memory_space<hbm>>) target(%dma_start3A_93 : memref<1x64xf32, #tpu.memory_space<vmem>>) target_semaphore(%arg7 : memref<!tpu.dma_semaphore, #tpu.memory_space<semaphore_mem>>)
        %slice3A_96 = vector.extract_strided_slice %get3A_28 {offsets = [5], sizes = [1], strides = [1]} : vector<16xi32> to vector<1xi32>
        %squeeze3A_97 = vector.extract %slice3A_96[0] : i32 from vector<1xi32>
        %mul3A_98 = arith.constant 16 : i32
        %mul3A_99 = arith.muli %scan3A_24, %mul3A_98 : i32
        %add3A_100 = arith.constant 5 : i32
        %add3A_101 = arith.addi %mul3A_99, %add3A_100 : i32
        %dma_start3A_102 = arith.constant 0 : i32
        %dma_start3A_103 = tpu.memref_slice %arg6[%add3A_101, %dma_start3A_102] : memref<256x64xf32, #tpu.memory_space<vmem>> -> memref<1x64xf32, #tpu.memory_space<vmem>>
        %dma_start3A_104 = arith.constant 0 : i32
        %dma_start3A_105 = tpu.memref_slice %arg3[%squeeze3A_97, %dma_start3A_104] : memref<1000000x64xf32, #tpu.memory_space<hbm>> -> memref<1x64xf32, #tpu.memory_space<hbm>>
        %dma_start3A_106 = arith.constant 0 : i32
        %dma_start3A_107 = tpu.memref_slice %arg6[%add3A_101, %dma_start3A_106] : memref<256x64xf32, #tpu.memory_space<vmem>> -> memref<1x64xf32, #tpu.memory_space<vmem>>
        %dma_start3A_108 = arith.constant 0 : i32
        %dma_start3A_109 = tpu.memref_slice %arg3[%squeeze3A_97, %dma_start3A_108] : memref<1000000x64xf32, #tpu.memory_space<hbm>> -> memref<1x64xf32, #tpu.memory_space<hbm>>
        tpu.enqueue_dma source(%dma_start3A_109 : memref<1x64xf32, #tpu.memory_space<hbm>>) target(%dma_start3A_107 : memref<1x64xf32, #tpu.memory_space<vmem>>) target_semaphore(%arg7 : memref<!tpu.dma_semaphore, #tpu.memory_space<semaphore_mem>>)
        %slice3A_110 = vector.extract_strided_slice %get3A_28 {offsets = [6], sizes = [1], strides = [1]} : vector<16xi32> to vector<1xi32>
        %squeeze3A_111 = vector.extract %slice3A_110[0] : i32 from vector<1xi32>
        %mul3A_112 = arith.constant 16 : i32
        %mul3A_113 = arith.muli %scan3A_24, %mul3A_112 : i32
        %add3A_114 = arith.constant 6 : i32
        %add3A_115 = arith.addi %mul3A_113, %add3A_114 : i32
        %dma_start3A_116 = arith.constant 0 : i32
        %dma_start3A_117 = tpu.memref_slice %arg6[%add3A_115, %dma_start3A_116] : memref<256x64xf32, #tpu.memory_space<vmem>> -> memref<1x64xf32, #tpu.memory_space<vmem>>
        %dma_start3A_118 = arith.constant 0 : i32
        %dma_start3A_119 = tpu.memref_slice %arg3[%squeeze3A_111, %dma_start3A_118] : memref<1000000x64xf32, #tpu.memory_space<hbm>> -> memref<1x64xf32, #tpu.memory_space<hbm>>
        %dma_start3A_120 = arith.constant 0 : i32
        %dma_start3A_121 = tpu.memref_slice %arg6[%add3A_115, %dma_start3A_120] : memref<256x64xf32, #tpu.memory_space<vmem>> -> memref<1x64xf32, #tpu.memory_space<vmem>>
        %dma_start3A_122 = arith.constant 0 : i32
        %dma_start3A_123 = tpu.memref_slice %arg3[%squeeze3A_111, %dma_start3A_122] : memref<1000000x64xf32, #tpu.memory_space<hbm>> -> memref<1x64xf32, #tpu.memory_space<hbm>>
        tpu.enqueue_dma source(%dma_start3A_123 : memref<1x64xf32, #tpu.memory_space<hbm>>) target(%dma_start3A_121 : memref<1x64xf32, #tpu.memory_space<vmem>>) target_semaphore(%arg7 : memref<!tpu.dma_semaphore, #tpu.memory_space<semaphore_mem>>)
        %slice3A_124 = vector.extract_strided_slice %get3A_28 {offsets = [7], sizes = [1], strides = [1]} : vector<16xi32> to vector<1xi32>
        %squeeze3A_125 = vector.extract %slice3A_124[0] : i32 from vector<1xi32>
        %mul3A_126 = arith.constant 16 : i32
        %mul3A_127 = arith.muli %scan3A_24, %mul3A_126 : i32
        %add3A_128 = arith.constant 7 : i32
        %add3A_129 = arith.addi %mul3A_127, %add3A_128 : i32
        %dma_start3A_130 = arith.constant 0 : i32
        %dma_start3A_131 = tpu.memref_slice %arg6[%add3A_129, %dma_start3A_130] : memref<256x64xf32, #tpu.memory_space<vmem>> -> memref<1x64xf32, #tpu.memory_space<vmem>>
        %dma_start3A_132 = arith.constant 0 : i32
        %dma_start3A_133 = tpu.memref_slice %arg3[%squeeze3A_125, %dma_start3A_132] : memref<1000000x64xf32, #tpu.memory_space<hbm>> -> memref<1x64xf32, #tpu.memory_space<hbm>>
        %dma_start3A_134 = arith.constant 0 : i32
        %dma_start3A_135 = tpu.memref_slice %arg6[%add3A_129, %dma_start3A_134] : memref<256x64xf32, #tpu.memory_space<vmem>> -> memref<1x64xf32, #tpu.memory_space<vmem>>
        %dma_start3A_136 = arith.constant 0 : i32
        %dma_start3A_137 = tpu.memref_slice %arg3[%squeeze3A_125, %dma_start3A_136] : memref<1000000x64xf32, #tpu.memory_space<hbm>> -> memref<1x64xf32, #tpu.memory_space<hbm>>
        tpu.enqueue_dma source(%dma_start3A_137 : memref<1x64xf32, #tpu.memory_space<hbm>>) target(%dma_start3A_135 : memref<1x64xf32, #tpu.memory_space<vmem>>) target_semaphore(%arg7 : memref<!tpu.dma_semaphore, #tpu.memory_space<semaphore_mem>>)
        %slice3A_138 = vector.extract_strided_slice %get3A_28 {offsets = [8], sizes = [1], strides = [1]} : vector<16xi32> to vector<1xi32>
        %squeeze3A_139 = vector.extract %slice3A_138[0] : i32 from vector<1xi32>
        %mul3A_140 = arith.constant 16 : i32
        %mul3A_141 = arith.muli %scan3A_24, %mul3A_140 : i32
        %add3A_142 = arith.constant 8 : i32
        %add3A_143 = arith.addi %mul3A_141, %add3A_142 : i32
        %dma_start3A_144 = arith.constant 0 : i32
        %dma_start3A_145 = tpu.memref_slice %arg6[%add3A_143, %dma_start3A_144] : memref<256x64xf32, #tpu.memory_space<vmem>> -> memref<1x64xf32, #tpu.memory_space<vmem>>
        %dma_start3A_146 = arith.constant 0 : i32
        %dma_start3A_147 = tpu.memref_slice %arg3[%squeeze3A_139, %dma_start3A_146] : memref<1000000x64xf32, #tpu.memory_space<hbm>> -> memref<1x64xf32, #tpu.memory_space<hbm>>
        %dma_start3A_148 = arith.constant 0 : i32
        %dma_start3A_149 = tpu.memref_slice %arg6[%add3A_143, %dma_start3A_148] : memref<256x64xf32, #tpu.memory_space<vmem>> -> memref<1x64xf32, #tpu.memory_space<vmem>>
        %dma_start3A_150 = arith.constant 0 : i32
        %dma_start3A_151 = tpu.memref_slice %arg3[%squeeze3A_139, %dma_start3A_150] : memref<1000000x64xf32, #tpu.memory_space<hbm>> -> memref<1x64xf32, #tpu.memory_space<hbm>>
        tpu.enqueue_dma source(%dma_start3A_151 : memref<1x64xf32, #tpu.memory_space<hbm>>) target(%dma_start3A_149 : memref<1x64xf32, #tpu.memory_space<vmem>>) target_semaphore(%arg7 : memref<!tpu.dma_semaphore, #tpu.memory_space<semaphore_mem>>)
        %slice3A_152 = vector.extract_strided_slice %get3A_28 {offsets = [9], sizes = [1], strides = [1]} : vector<16xi32> to vector<1xi32>
        %squeeze3A_153 = vector.extract %slice3A_152[0] : i32 from vector<1xi32>
        %mul3A_154 = arith.constant 16 : i32
        %mul3A_155 = arith.muli %scan3A_24, %mul3A_154 : i32
        %add3A_156 = arith.constant 9 : i32
        %add3A_157 = arith.addi %mul3A_155, %add3A_156 : i32
        %dma_start3A_158 = arith.constant 0 : i32
        %dma_start3A_159 = tpu.memref_slice %arg6[%add3A_157, %dma_start3A_158] : memref<256x64xf32, #tpu.memory_space<vmem>> -> memref<1x64xf32, #tpu.memory_space<vmem>>
        %dma_start3A_160 = arith.constant 0 : i32
        %dma_start3A_161 = tpu.memref_slice %arg3[%squeeze3A_153, %dma_start3A_160] : memref<1000000x64xf32, #tpu.memory_space<hbm>> -> memref<1x64xf32, #tpu.memory_space<hbm>>
        %dma_start3A_162 = arith.constant 0 : i32
        %dma_start3A_163 = tpu.memref_slice %arg6[%add3A_157, %dma_start3A_162] : memref<256x64xf32, #tpu.memory_space<vmem>> -> memref<1x64xf32, #tpu.memory_space<vmem>>
        %dma_start3A_164 = arith.constant 0 : i32
        %dma_start3A_165 = tpu.memref_slice %arg3[%squeeze3A_153, %dma_start3A_164] : memref<1000000x64xf32, #tpu.memory_space<hbm>> -> memref<1x64xf32, #tpu.memory_space<hbm>>
        tpu.enqueue_dma source(%dma_start3A_165 : memref<1x64xf32, #tpu.memory_space<hbm>>) target(%dma_start3A_163 : memref<1x64xf32, #tpu.memory_space<vmem>>) target_semaphore(%arg7 : memref<!tpu.dma_semaphore, #tpu.memory_space<semaphore_mem>>)
        %slice3A_166 = vector.extract_strided_slice %get3A_28 {offsets = [10], sizes = [1], strides = [1]} : vector<16xi32> to vector<1xi32>
        %squeeze3A_167 = vector.extract %slice3A_166[0] : i32 from vector<1xi32>
        %mul3A_168 = arith.constant 16 : i32
        %mul3A_169 = arith.muli %scan3A_24, %mul3A_168 : i32
        %add3A_170 = arith.constant 10 : i32
        %add3A_171 = arith.addi %mul3A_169, %add3A_170 : i32
        %dma_start3A_172 = arith.constant 0 : i32
        %dma_start3A_173 = tpu.memref_slice %arg6[%add3A_171, %dma_start3A_172] : memref<256x64xf32, #tpu.memory_space<vmem>> -> memref<1x64xf32, #tpu.memory_space<vmem>>
        %dma_start3A_174 = arith.constant 0 : i32
        %dma_start3A_175 = tpu.memref_slice %arg3[%squeeze3A_167, %dma_start3A_174] : memref<1000000x64xf32, #tpu.memory_space<hbm>> -> memref<1x64xf32, #tpu.memory_space<hbm>>
        %dma_start3A_176 = arith.constant 0 : i32
        %dma_start3A_177 = tpu.memref_slice %arg6[%add3A_171, %dma_start3A_176] : memref<256x64xf32, #tpu.memory_space<vmem>> -> memref<1x64xf32, #tpu.memory_space<vmem>>
        %dma_start3A_178 = arith.constant 0 : i32
        %dma_start3A_179 = tpu.memref_slice %arg3[%squeeze3A_167, %dma_start3A_178] : memref<1000000x64xf32, #tpu.memory_space<hbm>> -> memref<1x64xf32, #tpu.memory_space<hbm>>
        tpu.enqueue_dma source(%dma_start3A_179 : memref<1x64xf32, #tpu.memory_space<hbm>>) target(%dma_start3A_177 : memref<1x64xf32, #tpu.memory_space<vmem>>) target_semaphore(%arg7 : memref<!tpu.dma_semaphore, #tpu.memory_space<semaphore_mem>>)
        %slice3A_180 = vector.extract_strided_slice %get3A_28 {offsets = [11], sizes = [1], strides = [1]} : vector<16xi32> to vector<1xi32>
        %squeeze3A_181 = vector.extract %slice3A_180[0] : i32 from vector<1xi32>
        %mul3A_182 = arith.constant 16 : i32
        %mul3A_183 = arith.muli %scan3A_24, %mul3A_182 : i32
        %add3A_184 = arith.constant 11 : i32
        %add3A_185 = arith.addi %mul3A_183, %add3A_184 : i32
        %dma_start3A_186 = arith.constant 0 : i32
        %dma_start3A_187 = tpu.memref_slice %arg6[%add3A_185, %dma_start3A_186] : memref<256x64xf32, #tpu.memory_space<vmem>> -> memref<1x64xf32, #tpu.memory_space<vmem>>
        %dma_start3A_188 = arith.constant 0 : i32
        %dma_start3A_189 = tpu.memref_slice %arg3[%squeeze3A_181, %dma_start3A_188] : memref<1000000x64xf32, #tpu.memory_space<hbm>> -> memref<1x64xf32, #tpu.memory_space<hbm>>
        %dma_start3A_190 = arith.constant 0 : i32
        %dma_start3A_191 = tpu.memref_slice %arg6[%add3A_185, %dma_start3A_190] : memref<256x64xf32, #tpu.memory_space<vmem>> -> memref<1x64xf32, #tpu.memory_space<vmem>>
        %dma_start3A_192 = arith.constant 0 : i32
        %dma_start3A_193 = tpu.memref_slice %arg3[%squeeze3A_181, %dma_start3A_192] : memref<1000000x64xf32, #tpu.memory_space<hbm>> -> memref<1x64xf32, #tpu.memory_space<hbm>>
        tpu.enqueue_dma source(%dma_start3A_193 : memref<1x64xf32, #tpu.memory_space<hbm>>) target(%dma_start3A_191 : memref<1x64xf32, #tpu.memory_space<vmem>>) target_semaphore(%arg7 : memref<!tpu.dma_semaphore, #tpu.memory_space<semaphore_mem>>)
        %slice3A_194 = vector.extract_strided_slice %get3A_28 {offsets = [12], sizes = [1], strides = [1]} : vector<16xi32> to vector<1xi32>
        %squeeze3A_195 = vector.extract %slice3A_194[0] : i32 from vector<1xi32>
        %mul3A_196 = arith.constant 16 : i32
        %mul3A_197 = arith.muli %scan3A_24, %mul3A_196 : i32
        %add3A_198 = arith.constant 12 : i32
        %add3A_199 = arith.addi %mul3A_197, %add3A_198 : i32
        %dma_start3A_200 = arith.constant 0 : i32
        %dma_start3A_201 = tpu.memref_slice %arg6[%add3A_199, %dma_start3A_200] : memref<256x64xf32, #tpu.memory_space<vmem>> -> memref<1x64xf32, #tpu.memory_space<vmem>>
        %dma_start3A_202 = arith.constant 0 : i32
        %dma_start3A_203 = tpu.memref_slice %arg3[%squeeze3A_195, %dma_start3A_202] : memref<1000000x64xf32, #tpu.memory_space<hbm>> -> memref<1x64xf32, #tpu.memory_space<hbm>>
        %dma_start3A_204 = arith.constant 0 : i32
        %dma_start3A_205 = tpu.memref_slice %arg6[%add3A_199, %dma_start3A_204] : memref<256x64xf32, #tpu.memory_space<vmem>> -> memref<1x64xf32, #tpu.memory_space<vmem>>
        %dma_start3A_206 = arith.constant 0 : i32
        %dma_start3A_207 = tpu.memref_slice %arg3[%squeeze3A_195, %dma_start3A_206] : memref<1000000x64xf32, #tpu.memory_space<hbm>> -> memref<1x64xf32, #tpu.memory_space<hbm>>
        tpu.enqueue_dma source(%dma_start3A_207 : memref<1x64xf32, #tpu.memory_space<hbm>>) target(%dma_start3A_205 : memref<1x64xf32, #tpu.memory_space<vmem>>) target_semaphore(%arg7 : memref<!tpu.dma_semaphore, #tpu.memory_space<semaphore_mem>>)
        %slice3A_208 = vector.extract_strided_slice %get3A_28 {offsets = [13], sizes = [1], strides = [1]} : vector<16xi32> to vector<1xi32>
        %squeeze3A_209 = vector.extract %slice3A_208[0] : i32 from vector<1xi32>
        %mul3A_210 = arith.constant 16 : i32
        %mul3A_211 = arith.muli %scan3A_24, %mul3A_210 : i32
        %add3A_212 = arith.constant 13 : i32
        %add3A_213 = arith.addi %mul3A_211, %add3A_212 : i32
        %dma_start3A_214 = arith.constant 0 : i32
        %dma_start3A_215 = tpu.memref_slice %arg6[%add3A_213, %dma_start3A_214] : memref<256x64xf32, #tpu.memory_space<vmem>> -> memref<1x64xf32, #tpu.memory_space<vmem>>
        %dma_start3A_216 = arith.constant 0 : i32
        %dma_start3A_217 = tpu.memref_slice %arg3[%squeeze3A_209, %dma_start3A_216] : memref<1000000x64xf32, #tpu.memory_space<hbm>> -> memref<1x64xf32, #tpu.memory_space<hbm>>
        %dma_start3A_218 = arith.constant 0 : i32
        %dma_start3A_219 = tpu.memref_slice %arg6[%add3A_213, %dma_start3A_218] : memref<256x64xf32, #tpu.memory_space<vmem>> -> memref<1x64xf32, #tpu.memory_space<vmem>>
        %dma_start3A_220 = arith.constant 0 : i32
        %dma_start3A_221 = tpu.memref_slice %arg3[%squeeze3A_209, %dma_start3A_220] : memref<1000000x64xf32, #tpu.memory_space<hbm>> -> memref<1x64xf32, #tpu.memory_space<hbm>>
        tpu.enqueue_dma source(%dma_start3A_221 : memref<1x64xf32, #tpu.memory_space<hbm>>) target(%dma_start3A_219 : memref<1x64xf32, #tpu.memory_space<vmem>>) target_semaphore(%arg7 : memref<!tpu.dma_semaphore, #tpu.memory_space<semaphore_mem>>)
        %slice3A_222 = vector.extract_strided_slice %get3A_28 {offsets = [14], sizes = [1], strides = [1]} : vector<16xi32> to vector<1xi32>
        %squeeze3A_223 = vector.extract %slice3A_222[0] : i32 from vector<1xi32>
        %mul3A_224 = arith.constant 16 : i32
        %mul3A_225 = arith.muli %scan3A_24, %mul3A_224 : i32
        %add3A_226 = arith.constant 14 : i32
        %add3A_227 = arith.addi %mul3A_225, %add3A_226 : i32
        %dma_start3A_228 = arith.constant 0 : i32
        %dma_start3A_229 = tpu.memref_slice %arg6[%add3A_227, %dma_start3A_228] : memref<256x64xf32, #tpu.memory_space<vmem>> -> memref<1x64xf32, #tpu.memory_space<vmem>>
        %dma_start3A_230 = arith.constant 0 : i32
        %dma_start3A_231 = tpu.memref_slice %arg3[%squeeze3A_223, %dma_start3A_230] : memref<1000000x64xf32, #tpu.memory_space<hbm>> -> memref<1x64xf32, #tpu.memory_space<hbm>>
        %dma_start3A_232 = arith.constant 0 : i32
        %dma_start3A_233 = tpu.memref_slice %arg6[%add3A_227, %dma_start3A_232] : memref<256x64xf32, #tpu.memory_space<vmem>> -> memref<1x64xf32, #tpu.memory_space<vmem>>
        %dma_start3A_234 = arith.constant 0 : i32
        %dma_start3A_235 = tpu.memref_slice %arg3[%squeeze3A_223, %dma_start3A_234] : memref<1000000x64xf32, #tpu.memory_space<hbm>> -> memref<1x64xf32, #tpu.memory_space<hbm>>
        tpu.enqueue_dma source(%dma_start3A_235 : memref<1x64xf32, #tpu.memory_space<hbm>>) target(%dma_start3A_233 : memref<1x64xf32, #tpu.memory_space<vmem>>) target_semaphore(%arg7 : memref<!tpu.dma_semaphore, #tpu.memory_space<semaphore_mem>>)
        %slice3A_236 = vector.extract_strided_slice %get3A_28 {offsets = [15], sizes = [1], strides = [1]} : vector<16xi32> to vector<1xi32>
        %squeeze3A_237 = vector.extract %slice3A_236[0] : i32 from vector<1xi32>
        %mul3A_238 = arith.constant 16 : i32
        %mul3A_239 = arith.muli %scan3A_24, %mul3A_238 : i32
        %add3A_240 = arith.constant 15 : i32
        %add3A_241 = arith.addi %mul3A_239, %add3A_240 : i32
        %dma_start3A_242 = arith.constant 0 : i32
        %dma_start3A_243 = tpu.memref_slice %arg6[%add3A_241, %dma_start3A_242] : memref<256x64xf32, #tpu.memory_space<vmem>> -> memref<1x64xf32, #tpu.memory_space<vmem>>
        %dma_start3A_244 = arith.constant 0 : i32
        %dma_start3A_245 = tpu.memref_slice %arg3[%squeeze3A_237, %dma_start3A_244] : memref<1000000x64xf32, #tpu.memory_space<hbm>> -> memref<1x64xf32, #tpu.memory_space<hbm>>
        %dma_start3A_246 = arith.constant 0 : i32
        %dma_start3A_247 = tpu.memref_slice %arg6[%add3A_241, %dma_start3A_246] : memref<256x64xf32, #tpu.memory_space<vmem>> -> memref<1x64xf32, #tpu.memory_space<vmem>>
        %dma_start3A_248 = arith.constant 0 : i32
        %dma_start3A_249 = tpu.memref_slice %arg3[%squeeze3A_237, %dma_start3A_248] : memref<1000000x64xf32, #tpu.memory_space<hbm>> -> memref<1x64xf32, #tpu.memory_space<hbm>>
        tpu.enqueue_dma source(%dma_start3A_249 : memref<1x64xf32, #tpu.memory_space<hbm>>) target(%dma_start3A_247 : memref<1x64xf32, #tpu.memory_space<vmem>>) target_semaphore(%arg7 : memref<!tpu.dma_semaphore, #tpu.memory_space<semaphore_mem>>)
      }
      %scan3A_16 = arith.constant 16 : i32
      %scan3A_17 = arith.constant 0 : i32
      %scan3A_18 = arith.constant 0 : i32
      %scan3A_19 = arith.constant 256 : i32
      %scan3A_20 = arith.addi %scan3A_18, %scan3A_19 : i32
      %scan3A_21 = arith.constant 1 : i32
      scf.for %scan3A_24 = %scan3A_18 to %scan3A_20 step %scan3A_21  : i32 {
        %dma_wait3A = arith.constant 0 : i32
        %dma_wait3A_25 = arith.constant 0 : i32
        %dma_wait3A_26 = tpu.memref_slice %arg6[%dma_wait3A, %dma_wait3A_25] : memref<256x64xf32, #tpu.memory_space<vmem>> -> memref<1x64xf32, #tpu.memory_space<vmem>>
        %dma_wait3A_27 = arith.constant 0 : i32
        %dma_wait3A_28 = arith.constant 0 : i32
        %dma_wait3A_29 = tpu.memref_slice %arg3[%dma_wait3A_27, %dma_wait3A_28] : memref<1000000x64xf32, #tpu.memory_space<hbm>> -> memref<1x64xf32, #tpu.memory_space<hbm>>
        %dma_wait3A_30 = arith.constant 0 : i32
        %dma_wait3A_31 = arith.constant 0 : i32
        %dma_wait3A_32 = tpu.memref_slice %arg6[%dma_wait3A_30, %dma_wait3A_31] : memref<256x64xf32, #tpu.memory_space<vmem>> -> memref<1x64xf32, #tpu.memory_space<vmem>>
        %dma_wait3A_33 = arith.constant 0 : i32
        %dma_wait3A_34 = arith.constant 0 : i32
        %dma_wait3A_35 = tpu.memref_slice %arg3[%dma_wait3A_33, %dma_wait3A_34] : memref<1000000x64xf32, #tpu.memory_space<hbm>> -> memref<1x64xf32, #tpu.memory_space<hbm>>
        tpu.wait_dma2 semaphore(%arg7 : memref<!tpu.dma_semaphore, #tpu.memory_space<semaphore_mem>>) src(%dma_wait3A_35 : memref<1x64xf32, #tpu.memory_space<hbm>>) dst(%dma_wait3A_32 : memref<1x64xf32, #tpu.memory_space<vmem>>)
      }
      %scan3A_22 = arith.constant 256 : i32
      %add3A_23 = arith.addi %mul3A_2, %mul3A_10 : i32
      "tpu.region"() ({
        %run_scoped3A = tpu.sem_alloc : memref<!tpu.dma_semaphore, #tpu.memory_space<semaphore_mem>>
        %dma_start3A = arith.constant 0 : i32
        %dma_start3A_24 = tpu.memref_slice %arg4[%add3A_23, %dma_start3A] : memref<16384x64xf32, #tpu.memory_space<hbm>> -> memref<256x64xf32, #tpu.memory_space<hbm>>
        %dma_start3A_25 = arith.constant 0 : i32
        %dma_start3A_26 = tpu.memref_slice %arg4[%add3A_23, %dma_start3A_25] : memref<16384x64xf32, #tpu.memory_space<hbm>> -> memref<256x64xf32, #tpu.memory_space<hbm>>
        tpu.enqueue_dma source(%arg6 : memref<256x64xf32, #tpu.memory_space<vmem>>) target(%dma_start3A_26 : memref<256x64xf32, #tpu.memory_space<hbm>>) target_semaphore(%run_scoped3A : memref<!tpu.dma_semaphore, #tpu.memory_space<semaphore_mem>>)
        %dma_wait3A = arith.constant 0 : i32
        %dma_wait3A_27 = tpu.memref_slice %arg4[%add3A_23, %dma_wait3A] : memref<16384x64xf32, #tpu.memory_space<hbm>> -> memref<256x64xf32, #tpu.memory_space<hbm>>
        %dma_wait3A_28 = arith.constant 0 : i32
        %dma_wait3A_29 = tpu.memref_slice %arg4[%add3A_23, %dma_wait3A_28] : memref<16384x64xf32, #tpu.memory_space<hbm>> -> memref<256x64xf32, #tpu.memory_space<hbm>>
        tpu.wait_dma2 semaphore(%run_scoped3A : memref<!tpu.dma_semaphore, #tpu.memory_space<semaphore_mem>>) src(%arg6 : memref<256x64xf32, #tpu.memory_space<vmem>>) dst(%dma_wait3A_29 : memref<256x64xf32, #tpu.memory_space<hbm>>)
        tpu.yield
      }) : () -> ()
    }
    %scan3A_7 = arith.constant 2 : i32
    return
  }
}

</mosaic_0001>

<sc_bundles>
// kernel: kernel.4.cloned.1.call-start
scs
__scs_entry_jumppad:
0x0: {  	(pc) =	sbr.rel $0x88, $3  }
0x1: {  	(tag) =	ssettag $0x0;
	lr =	simm.s32 $0x1  }
0x2: {  	[smem:$0x3F9E] =	sst lr;
	_ =	strace $0xD0000000  }
0x3: {  	_ = 	snop  }
0x4: {  	_ = 	snop  }
0x5: {  	_ = 	snop  }
0x6: {  	_ = 	snop  }
0x7: {  	_ = 	snop  }
__scs_overlays_trampoline_lowered:
0x8: {  	[smem:$0x3FAD] =	sst s0  }
0x9: {  	[smem:$0x3FAE] =	sst s1  }
0xa: {  	[smem:$0x3FAF] =	sst s2  }
0xb: {  	[smem:$0x3FB0] =	sst s3  }
0xc: {  	[smem:$0x3FB1] =	sst s4  }
0xd: {  	[smem:$0x3FB2] =	sst s5  }
0xe: {  	[smem:$0x3FB3] =	sst s6  }
0xf: {  	[smem:$0x3FB4] =	sst s7  }
0x10: {  	[smem:$0x3FB5] =	sst s8  }
0x11: {  	[smem:$0x3FB6] =	sst s9;
	s0 =	simm.s32 @!p0 $0x0  }
0x12: {  	s1 =	sld [smem:$0x3F9C];
	s0 =	simm.s32 @p0 $0x1  }
0x13: {  	[smem:$0x3FB7] =	sst s0;
	s0 =	simm.s32 @!p1 $0x0  }
0x14: {  	s2 =	sld [smem:$0x3F9B];
	s0 =	simm.s32 @p1 $0x1  }
0x15: {  	[smem:$0x3FB8] =	sst s0;
	s0 =	simm.s32 @!p2 $0x0  }
0x16: {  	s3 =	sld [smem:$0x3FDB];
	s0 =	simm.s32 @p2 $0x1  }
0x17: {  	s4 =	simm.s32 $0x1BF5;
	[smem:$0x3FBA] =	sst s0  }
0x18: {  	s0 =	sld [smem:$0x3F9D];
	_ =	swait.ge [sflag:s4], $0x0  }
0x19: {  	s7 =	sld [smem:$0x3F9E]  }
0x1a: {  	s8 =	sadd.s32 $0xFFFFE003, lr  }
0x1b: {  	s9 =	sadd.s32 $0xFFFFFEF7, lr;
	s5 =	simm.s32 $0xFFFFFFFF;
	p2 =	slt.u32 s8, $0xFFFFF086  }
0x1c: {  	p1 =	slt.u32 s9, $0xF7A;
	s5 =	simm.s32 @!p2 $0x0  }
0x1d: {  	s5 =	simm.s32 @p1 $0x1;
	p0 =	seq.s32 s7, s2  }
0x1e: {  	s7 =	smul.u32 @!p0 $0xF7A, s2;
	p2 =	seq.s32 @!p0 s5, $0x0  }
0x1f: {  	s9 =	smul.u32 $0xF7A, s1;
	s8 =	simm.s32 @!p0 $0x1BF5;
	p2 =	por !p2, p0  }
0x20: {  	[sflag:s8] =	ssyncset.s32 @!p0 $0xFFFFF086;
	s6 =	sadd.s32 @!p0 s3, s7;
	s7 =	simm.s32 @!p0 $0x108  }
0x21: {  	s3 =	sadd.s32 s3, s9;
	s6 =	sadd.s32 @!p0 $0x88, s6;
	s7 =	simm.s32 @p2 $0x1082  }
0x22: {  	[simem:s7], [sflag:s8] =	dma.local @!p0 [hbm:s6], $0xF7A  }
0x23: {  	s9 =	sor.u32 $0xD0000000, s2;
	s6 =	simm.s32 $0x108;
	_ =	swait.ge @!p0 [sflag:s8], $0x0  }
0x24: {  	s3 =	sadd.s32 $0x88, s3;
	s6 =	simm.s32 @!p1 $0x1082;
	[sflag:s4] =	ssyncset.s32 $0xFFFFF086  }
0x25: {  	[simem:s6], [sflag:s4] =	dma.local [hbm:s3], $0xF7A  }
0x26: {  	[smem:$0x3F9E] =	sst s1;
	(tag) =	ssettag s2;
	_ =	strace s9  }
0x27: {  	s1 =	sld [smem:$0x3FAE]  }
0x28: {  	s2 =	sld [smem:$0x3FAF]  }
0x29: {  	s4 =	sld [smem:$0x3FB1]  }
0x2a: {  	p0 =	seq.s32 s5, $0x0;
	s5 =	sld [smem:$0x3FB2]  }
0x2b: {  	s6 =	sld [smem:$0x3FB3]  }
0x2c: {  	s7 =	sld [smem:$0x3FB4]  }
0x2d: {  	s3 =	simm.s32 $0x108;
	s8 =	sld [smem:$0x3FB5]  }
0x2e: {  	s3 =	simm.s32 @!p0 $0x1082;
	s9 =	sld [smem:$0x3FB6]  }
0x2f: {  	lr =	sadd.s32 s0, s3;
	s0 =	sld [smem:$0x3FAD]  }
0x30: {  	s3 =	sld [smem:$0x3FB0]  }
0x31: {  	[smem:$0x3FB9] =	sst s10  }
0x32: {  	s10 =	sld [smem:$0x3FB7];
	_ =	sdelay $0x3  }
0x33: {  	p0 =	seq.s32 s10, $0x1;
	s10 =	sld [smem:$0x3FB9];
	_ =	sdelay $0x3  }
0x34: {  	[smem:$0x3FB9] =	sst s10  }
0x35: {  	s10 =	sld [smem:$0x3FB8];
	_ =	sdelay $0x3  }
0x36: {  	p1 =	seq.s32 s10, $0x1;
	s10 =	sld [smem:$0x3FB9];
	_ =	sdelay $0x3  }
0x37: {  	[smem:$0x3FB9] =	sst s10  }
0x38: {  	s10 =	sld [smem:$0x3FBA]  }
0x39: {  	_ = 	snop;
	(pc) =	sbr.ind lr, $3  }
0x3a: {  	_ = 	snop  }
0x3b: {  	_ = 	snop  }
0x3c: {  	p2 =	seq.s32 s10, $0x1;
	s10 =	sld [smem:$0x3FB9]  }
0x3d: {  	_ =	shalt  }
0x3e: {  	_ =	shalt  }
0x3f: {  	_ =	shalt  }
0x40: {  	_ =	shalt  }
0x41: {  	_ =	shalt  }
0x42: {  	_ =	shalt  }
0x43: {  	_ =	shalt  }
0x44: {  	_ =	shalt  }
0x45: {  	_ =	shalt  }
0x46: {  	_ =	shalt  }
0x47: {  	_ =	shalt  }
0x48: {  	_ =	shalt  }
0x49: {  	_ =	shalt  }
0x4a: {  	_ =	shalt  }
0x4b: {  	_ =	shalt  }
0x4c: {  	_ =	shalt  }
0x4d: {  	_ =	shalt  }
0x4e: {  	_ =	shalt  }
0x4f: {  	_ =	shalt  }
0x50: {  	_ =	shalt  }
0x51: {  	_ =	shalt  }
0x52: {  	_ =	shalt  }
0x53: {  	_ =	shalt  }
0x54: {  	_ =	shalt  }
0x55: {  	_ =	shalt  }
0x56: {  	_ =	shalt  }
0x57: {  	_ =	shalt  }
0x58: {  	_ =	shalt  }
0x59: {  	_ =	shalt  }
0x5a: {  	_ =	shalt  }
0x5b: {  	_ =	shalt  }
0x5c: {  	_ =	shalt  }
0x5d: {  	_ =	shalt  }
0x5e: {  	_ =	shalt  }
0x5f: {  	_ =	shalt  }
0x60: {  	_ =	shalt  }
0x61: {  	_ =	shalt  }
0x62: {  	_ =	shalt  }
0x63: {  	_ =	shalt  }
0x64: {  	_ =	shalt  }
0x65: {  	_ =	shalt  }
0x66: {  	_ =	shalt  }
0x67: {  	_ =	shalt  }
0x68: {  	_ =	shalt  }
0x69: {  	_ =	shalt  }
0x6a: {  	_ =	shalt  }
0x6b: {  	_ =	shalt  }
0x6c: {  	_ =	shalt  }
0x6d: {  	_ =	shalt  }
0x6e: {  	_ =	shalt  }
0x6f: {  	_ =	shalt  }
0x70: {  	_ =	shalt  }
0x71: {  	_ =	shalt  }
0x72: {  	_ =	shalt  }
0x73: {  	_ =	shalt  }
0x74: {  	_ =	shalt  }
0x75: {  	_ =	shalt  }
0x76: {  	_ =	shalt  }
0x77: {  	_ =	shalt  }
0x78: {  	_ =	shalt  }
0x79: {  	_ =	shalt  }
0x7a: {  	_ =	shalt  }
0x7b: {  	_ =	shalt  }
0x7c: {  	_ =	shalt  }
0x7d: {  	_ =	shalt  }
0x7e: {  	_ =	shalt  }
0x7f: {  	_ =	shalt  }
0x80: {  	_ =	shalt  }
0x81: {  	_ =	shalt  }
0x82: {  	_ =	shalt  }
0x83: {  	_ =	shalt  }
0x84: {  	_ =	shalt  }
0x85: {  	_ =	shalt  }
0x86: {  	_ =	shalt  }
0x87: {  	_ =	shalt  }
.Lfunc_end0:
.L_simem_size_0:
called_computation_lowered:
.L_overlay_start_0:
0x88: {  	s2 =	sld [smem:$0x3FD9]  }
0x89: {  	s3 =	sld [smem:$0x3FFE];
	_ =	sdelay $0x1  }
0x8a: {  	s1 =	srdreg.scid  }
0x8b: {  	s0 =	sand.u32 $0x1, s1  }
0x8c: {  	s17 =	sshll.u32 s0, $0xA;
	s2 =	sadd.s32 s3, s2  }
0x8d: {  	s2 =	sadd.s32 s2, s17  }
0x8e: {  	[smem:$0x3FC5] =	sst s2  }
0x8f: {  	_ = 	snop  }
0x90: {  	s2 =	sld [smem:$0x3FD0];
	(tm) =	ssettm $0x1  }
0x91: {  	s18 =	sld [smem:$0x3FFB];
	_ =	sdelay $0x3  }
0x92: {  	_ =	strace s18  }
0x93: {  	s3 =	sld [smem:$0x3FFC];
	_ =	sdelay $0x3  }
0x94: {  	_ =	strace s3  }
0x95: {  	s3 =	sld [smem:$0x3FFD];
	_ =	sdelay $0x3  }
0x96: {  	_ =	strace s3  }
0x97: {  	_ =	strace $0x8FFFFFFF  }
0x98: {  	s19 =	sld [smem:$0x3FDB];
	_ =	sdelay $0x1  }
0x99: {  	s4 =	simm.s32 $_scs_section_size  }
0x9a: {  	s5 =	simm.s32 $_size__tile_overlayer_lowered;
	s6 =	simm.s32 $_tile_overlayer_lowered  }
0x9b: {  	s22 =	simm.s32 $0x1BFF;
	s21 =	sshll.u32 s6, $0x1;
	s3 =	sadd.s32 s4, s19  }
0x9c: {  	s7 =	simm.s32 $0x0;
	s20 =	sshll.u32 s5, $0x1;
	s5 =	sadd.s32 s21, s3  }
0x9d: {  	[timem:s7], [sflag:s22] =	dma.local [hbm:s5], s20  }
0x9e: {  	_ =	swait.ge [sflag:s22], s20  }
0x9f: {  	s4 =	ssub.s32 $0x0, s20;
	[sflag:s22] =	ssyncset.done $0x0  }
0xa0: {  	[sflag:s22] =	ssyncadd.s32 s4;
	_ =	sdelay $0x1  }
0xa1: {  	s23 =	simm.s32 $0x1B8B  }
0xa2: {  	_ =	swait.ge [sflag:s23], $0x1  }
0xa3: {  	[sflag:s23] =	ssyncset.done $0x0  }
0xa4: {  	s25 =	simm.s32 $0x1B8E;
	s24 =	sld [smem:$0x3FFE];
	[sflag:s23] =	ssyncadd.s32 $0xFFFFFFFF  }
0xa5: {  	s26 =	simm.s32 $execute0_lowered;
	[smem:$0x3FD2] =	sst s25  }
0xa6: {  	s5 =	sshll.u32 s26, $0x1;
	_ =	strace $0x80000046;
	[dreg:$0x1] =	wrdreg $0xFFFFFFFF  }
0xa7: {  	s28 =	simm.s32 $_size_execute0_lowered;
	s3 =	sadd.s32 s3, s5;
	[dreg:$0x0] =	wrdreg $0x0  }
0xa8: {  	s5 =	sshll.u32 s28, $0x1;
	[dreg:$0x2] =	wrdreg s3  }
0xa9: {  	[dreg:$0x3] =	wrdreg s5  }
0xaa: {  	[dreg:$0x4] =	wrdreg $0xC0  }
0xab: {  	_ =	task [dreg:s7], $0x5FFFF  }
0xac: {  	[dreg:$0x1] =	wrdreg $0xFFFFFFFF  }
0xad: {  	[dreg:$0x0] =	wrdreg $0x60  }
0xae: {  	[dreg:$0x2] =	wrdreg s2  }
0xaf: {  	[dreg:$0x3] =	wrdreg s24  }
0xb0: {  	[dreg:$0x4] =	wrdreg $0x9  }
0xb1: {  	_ =	task.clear_ibuf [dreg:s7], $0x5FFFF;
	_ =	strace $0x90000046  }
0xb2: {  	s29 =	simm.s32 $0x9;
	_ =	strace $0x80000048  }
0xb3: {  	_ =	swait.ge [sflag:s29], $0x1  }
0xb4: {  	[sflag:s29] =	ssyncadd.s32 $0xFFFFFFFF  }
0xb5: {  	_ =	strace $0x90000048  }
0xb6: {  	_ =	sfence  }
0xb7: {  	s30 =	sld [smem:$0x0];
	_ =	sdelay $0x2  }
0xb8: {  	s31 =	sshll.u32 s1, $0xD;
	s1 =	sshrl.u32 s1, $0x2  }
0xb9: {  	s3 =	sand.u32 $0x4000, s31;
	s1 =	sadd.s32 s1, s30  }
0xba: {  	s0 =	sor.u32 s3, s0;
	s1 =	sshll.u32 s1, $0x11  }
0xbb: {  	s0 =	sor.u32 s1, s0  }
0xbc: {  	s0 =	sadd.s32 $0x8F2B, s0  }
0xbd: {  	[sflag:s0] =	ssyncadd.remote.s32 $0x1  }
0xbe: {  	_ =	sfence.sel $0xFFFF  }
0xbf: {  	[dreg:$0x0] =	wrdreg $0xFFFFFFFF;
	(pc) =	sbr.abs _section_cstart, $3  }
0xc0: {  	[dreg:$0x1] =	wrdreg $0xFFFFFFFF  }
0xc1: {  	_ =	task.clear_ibuf [dreg:s7], $0x2FFFF;
	_ =	strace $0x9FFFFFFF  }
0xc2: {  	(tm) =	ssettm $0x7FFFFFFF  }
0xc3: {  	_ =	shalt  }
tec
execute0_lowered:
.L_overlay_start_1:
0x0: {  	(tag) =	ssettag $0x1  }
0x1: {  	s6 =	rddreg [dreg:$0x0]  }
0x2: {  	s5 =	rddreg [dreg:$0x1];
	s3 =	srdreg.scid  }
0x3: {  	s2 =	simm.s32 $0x0;
	s0 =	stileid.u32;
	s3 =	sand.u32 $0x1, s3  }
0x4: {  	s1 =	simm.s32 $0x0;
	s4 =	sshll.u32 s0, $0xA;
	s8 =	sshll.u32 s3, $0x9  }
0x5: {  	[smem:$0x7FF] =	sst s2;
	s7 =	ssub.s32 $0x2, s3;
	s4 =	sor.u32 s8, s4  }
0x6: {  	_ =	strace $0x80000047;
	s9 =	sshrl.u32 s7, $0x1;
	s8 =	sshrl.u32 s4, $0x3  }
0x7: {  	s3 =	sadd.s32 $0x1200, s5;
	s7 =	ssub.s32 s7, s9;
	s30 =	sadd.s32 s6, s8  }
0x8: {  	s5 =	sadd.s32 $0xF43600, s5;
	s31 =	smax.u32 s7, $0x1;
	[dreg:$0x3] =	wrdreg s30  }
0x9: {  	s9 =	simm.s32 $0x1;
	s8 =	simm.s32 $0x2;
	[dreg:$0x4] =	wrdreg s31  }
.LBB2_1:
0xa: {  	[dreg:$0x5] =	wrdreg s1  }
0xb: {  	s0 =	rddreg [dreg:$0x3]  }
0xc: {  	[tilespmem:s2], [sflag:$0x2] =	stream.linear.gather [hbm4b:s0+s2], $0x200, $0x38;
	[tilespmem:$0x8200] =	vst v63  }
0xd: {  	_ =	swait.ge [sflag:s8], $0x200  }
0xe: {  	[sflag:s8] =	ssyncset.done $0x0  }
0xf: {  	p1 =	por $0x1, $0x1;
	s12 =	simm.s32 $0x0;
	[sflag:s8] =	ssyncadd.s32 $0xFFFFFE00  }
.LBB2_2:
0x10: {  	s13 =	simm.s32 $0x0  }
0x11: {  	s14 =	sand.u32 $0x80, s13  }
0x12: {  	s13 =	sand.u32 $0x70, s13;
	s14 =	sadd.s32 s14, s12  }
0x13: {  	s13 =	sadd.s32 s13, s14  }
0x14: {  	v0 =	vld [tilespmem:s13+$0x0];
	_ =	sdelay $0x4  }
0x15: {  	v0 =	vshll.u32 v0, $0x4  }
0x16: {  	(v2sf) =	vpush v0, $0x0  }
0x17: {  	(v2sf) =	vpush v0, $0x1  }
0x18: {  	(v2sf) =	vpush v0, $0x2;
	_ =	sdelay $0x1  }
0x19: {  	(v2sf) =	vpush v0, $0x3;
	_ =	sdelay $0x2  }
0x1a: {  	(v2sf) =	vpush v0, $0x4;
	_ =	sdelay $0x1  }
0x1b: {  	(v2sf) =	vpush v0, $0x5;
	_ =	sdelay $0x1  }
0x1c: {  	(v2sf) =	vpush v0, $0x6;
	_ =	sdelay $0x1  }
0x1d: {  	s15 =	simm.s32 $0x4000;
	s16 =	simm.s32 $0x0;
	s17 =	simm.s32 $0x280  }
0x1e: {  	s21 =	simm.s32 $0x500;
	s22 =	simm.s32 $0x580;
	s23 =	simm.s32 $0x200  }
0x1f: {  	s26 =	simm.s32 $0x400;
	s29 =	simm.s32 $0x300;
	s19 =	spop (v2sf);
	(v2sf) =	vpush v0, $0x7  }
0x20: {  	s31 =	simm.s32 $0x380;
	s19 =	sand.u32 $0x1FFFFFF0, s19;
	s20 =	spop (v2sf)  }
0x21: {  	s7 =	simm.s32 $0x480;
	(v2sf) =	vpush v0, $0x8;
	s19 =	sadd.s32 s3, s19;
	s28 =	spop (v2sf)  }
0x22: {  	(v2sf) =	vpush v0, $0x9;
	[tilespmem:s23], [sflag:$0x1] =	stream.linear.gather [hbm4b:s19+s2], $0x80, $0x38;
	[tilespmem:$0x8200] =	vst v63  }
0x23: {  	p0 =	por p1, p1;
	s20 =	sand.u32 $0x1FFFFFF0, s20;
	s30 =	spop (v2sf);
	(v2sf) =	vpush v0, $0xA  }
0x24: {  	s14 =	simm.s32 $0x10;
	s20 =	sadd.s32 s3, s20;
	s19 =	sand.u32 $0x1FFFFFF0, s28  }
0x25: {  	[tilespmem:s17], [sflag:$0x1] =	stream.linear.gather [hbm4b:s20+s2], $0x80, $0x38;
	[tilespmem:$0x8200] =	vst v63  }
0x26: {  	s24 =	spop (v2sf);
	s19 =	sadd.s32 s3, s19;
	s20 =	sand.u32 $0x1FFFFFF0, s30  }
0x27: {  	[tilespmem:s29], [sflag:$0x1] =	stream.linear.gather [hbm4b:s19+s2], $0x80, $0x38;
	[tilespmem:$0x8200] =	vst v63  }
0x28: {  	(v2sf) =	vpush v0, $0xB;
	s24 =	sand.u32 $0x1FFFFFF0, s24;
	s1 =	spop (v2sf);
	s0 =	sadd.s32 s3, s20  }
0x29: {  	[tilespmem:s31], [sflag:$0x1] =	stream.linear.gather [hbm4b:s0+s2], $0x80, $0x38;
	[tilespmem:$0x8200] =	vst v63  }
0x2a: {  	s6 =	sadd.s32 s3, s24;
	s17 =	sand.u32 $0x1FFFFFF0, s1;
	s10 =	spop (v2sf)  }
0x2b: {  	[tilespmem:s26], [sflag:$0x1] =	stream.linear.gather [hbm4b:s6+s2], $0x80, $0x38;
	[tilespmem:$0x8200] =	vst v63  }
0x2c: {  	s13 =	simm.s32 $0x2000;
	(v2sf) =	vpush v0, $0xC;
	s24 =	sand.u32 $0x1FFFFFF0, s10;
	s17 =	sadd.s32 s3, s17  }
0x2d: {  	[tilespmem:s7], [sflag:$0x1] =	stream.linear.gather [hbm4b:s17+s2], $0x80, $0x38;
	[tilespmem:$0x8200] =	vst v63  }
0x2e: {  	s18 =	sand.u32 $0x80, s14;
	s24 =	sadd.s32 s3, s24;
	s11 =	spop (v2sf);
	(v2sf) =	vpush v0, $0xD  }
0x2f: {  	[tilespmem:s21], [sflag:$0x1] =	stream.linear.gather [hbm4b:s24+s2], $0x80, $0x38;
	[tilespmem:$0x8200] =	vst v63  }
0x30: {  	s18 =	sadd.s32 s18, s12;
	s28 =	simm.s32 $0x600;
	s25 =	spop (v2sf);
	(v2sf) =	vpush v0, $0xE  }
0x31: {  	s30 =	simm.s32 $0x680;
	s20 =	simm.s32 $0x780;
	s26 =	spop (v2sf)  }
0x32: {  	s19 =	simm.s32 $0x700;
	s24 =	sand.u32 $0x1FFFFFF0, s11;
	s31 =	spop (v2sf);
	(v2sf) =	vpush v0, $0xF  }
0x33: {  	s17 =	simm.s32 $0x980;
	s23 =	sand.u32 $0x1FFFFFF0, s25;
	s21 =	sadd.s32 s3, s24  }
0x34: {  	[tilespmem:s22], [sflag:$0x1] =	stream.linear.gather [hbm4b:s21+s2], $0x80, $0x38;
	[tilespmem:$0x8200] =	vst v63  }
0x35: {  	s29 =	sand.u32 $0x1FFFFFF0, s26;
	s23 =	sadd.s32 s3, s23;
	s21 =	simm.s32 $0x880  }
0x36: {  	[tilespmem:s28], [sflag:$0x1] =	stream.linear.gather [hbm4b:s23+s2], $0x80, $0x38;
	[tilespmem:$0x8200] =	vst v63  }
0x37: {  	s22 =	sadd.s32 s3, s29;
	s25 =	spop (v2sf);
	s23 =	sand.u32 $0x1FFFFFF0, s31  }
0x38: {  	[tilespmem:s30], [sflag:$0x1] =	stream.linear.gather [hbm4b:s22+s2], $0x80, $0x38;
	[tilespmem:$0x8200] =	vst v63  }
0x39: {  	s24 =	sadd.s32 s3, s23;
	s23 =	sand.u32 $0x1FFFFFF0, s25;
	s22 =	simm.s32 $0x800  }
.LBB2_3:
0x3a: {  	p1 =	sne.s32 s15, $0x1E000  }
0x3b: {  	s25 =	sand.u32 $0x70, s14;
	s26 =	spop (v2sf);
	s28 =	smov.u32 s15  }
0x3c: {  	[tilespmem:s19], [sflag:$0x1] =	stream.linear.gather [hbm4b:s24+s2], $0x80, $0x38;
	[tilespmem:$0x8200] =	vst v63  }
0x3d: {  	s19 =	sadd.s32 s3, s23;
	s23 =	sand.u32 $0x1FFFFFF0, s26;
	s24 =	spop (v2sf)  }
0x3e: {  	[tilespmem:s20], [sflag:$0x1] =	stream.linear.gather [hbm4b:s19+s2], $0x80, $0x38;
	[tilespmem:$0x8200] =	vst v63  }
0x3f: {  	s19 =	sadd.s32 s3, s23;
	s20 =	sand.u32 $0x1FFFFFF0, s24;
	s23 =	spop (v2sf)  }
0x40: {  	[tilespmem:s22], [sflag:$0x1] =	stream.linear.gather [hbm4b:s19+s2], $0x80, $0x38;
	[tilespmem:$0x8200] =	vst v63  }
0x41: {  	s19 =	sadd.s32 s3, s20;
	s20 =	sand.u32 $0x1FFFFFF0, s23;
	s22 =	spop (v2sf)  }
0x42: {  	[tilespmem:s21], [sflag:$0x1] =	stream.linear.gather [hbm4b:s19+s2], $0x80, $0x38;
	[tilespmem:$0x8200] =	vst v63  }
0x43: {  	s16 =	sadd.s32 $0x900, s16;
	s19 =	sadd.s32 s3, s20;
	s20 =	sand.u32 $0x1FFFFFF0, s22  }
0x44: {  	[tilespmem:s16], [sflag:$0x1] =	stream.linear.gather [hbm4b:s19+s2], $0x80, $0x38;
	[tilespmem:$0x8200] =	vst v63  }
0x45: {  	s15 =	sadd.s32 $0x2000, s15;
	s16 =	sadd.s32 s25, s18;
	s18 =	sadd.s32 s3, s20  }
0x46: {  	[tilespmem:s17], [sflag:$0x1] =	stream.linear.gather [hbm4b:s18+s2], $0x80, $0x38;
	[tilespmem:$0x8200] =	vst v63  }
0x47: {  	v0 =	vld [tilespmem:s16+$0x0];
	_ =	sdelay $0x4  }
0x48: {  	v0 =	vshll.u32 v0, $0x4  }
0x49: {  	(v2sf) =	vpush v0, $0x0  }
0x4a: {  	(v2sf) =	vpush v0, $0x1  }
0x4b: {  	(v2sf) =	vpush v0, $0x2  }
0x4c: {  	(v2sf) =	vpush v0, $0x3;
	_ =	sdelay $0x1  }
0x4d: {  	(v2sf) =	vpush v0, $0x4;
	_ =	sdelay $0x1  }
0x4e: {  	s14 =	sadd.s32 $0x10, s14;
	(v2sf) =	vpush v0, $0x5  }
0x4f: {  	s18 =	sand.u32 $0x80, s14;
	s16 =	sshra.s32 s13, $0x2;
	s13 =	smov.u32 s28  }
0x50: {  	s29 =	sadd.s32 $0x280, s16;
	s24 =	sadd.s32 $0x500, s16;
	s23 =	sadd.s32 $0x580, s16;
	(v2sf) =	vpush v0, $0x6  }
0x51: {  	s30 =	sadd.s32 $0x200, s16;
	s31 =	sadd.s32 $0x400, s16;
	s19 =	sadd.s32 $0x700, s16  }
0x52: {  	s28 =	sadd.s32 $0x480, s16;
	s20 =	sadd.s32 $0x780, s16;
	s17 =	sadd.s32 $0x980, s16;
	(v2sf) =	vpush v0, $0x7  }
0x53: {  	s18 =	sadd.s32 s18, s12;
	s25 =	sadd.s32 $0x600, s16;
	s22 =	sadd.s32 $0x800, s16  }
0x54: {  	s21 =	sadd.s32 $0x880, s16;
	(v2sf) =	vpush v0, $0x8  }
0x55: {  	s26 =	sadd.s32 $0x680, s16  }
0x56: {  	s0 =	sadd.s32 $0x380, s16;
	s1 =	spop (v2sf);
	(v2sf) =	vpush v0, $0x9  }
0x57: {  	s1 =	sand.u32 $0x1FFFFFF0, s1;
	s6 =	spop (v2sf)  }
0x58: {  	s7 =	sadd.s32 $0x300, s16;
	s6 =	sand.u32 $0x1FFFFFF0, s6;
	s11 =	spop (v2sf);
	(v2sf) =	vpush v0, $0xA  }
0x59: {  	s1 =	sadd.s32 s3, s1;
	s11 =	sand.u32 $0x1FFFFFF0, s11;
	s10 =	spop (v2sf)  }
0x5a: {  	[tilespmem:s30], [sflag:$0x1] =	stream.linear.gather [hbm4b:s1+s2], $0x80, $0x38;
	(v2sf) =	vpush v0, $0xB;
	[tilespmem:$0x8200] =	vst v63  }
0x5b: {  	s1 =	sadd.s32 s3, s6;
	s6 =	sand.u32 $0x1FFFFFF0, s10;
	s10 =	spop (v2sf)  }
0x5c: {  	[tilespmem:s29], [sflag:$0x1] =	stream.linear.gather [hbm4b:s1+s2], $0x80, $0x38;
	[tilespmem:$0x8200] =	vst v63  }
0x5d: {  	s1 =	sadd.s32 s3, s11;
	s10 =	sand.u32 $0x1FFFFFF0, s10;
	s11 =	spop (v2sf)  }
0x5e: {  	[tilespmem:s7], [sflag:$0x1] =	stream.linear.gather [hbm4b:s1+s2], $0x80, $0x38;
	(v2sf) =	vpush v0, $0xC;
	[tilespmem:$0x8200] =	vst v63  }
0x5f: {  	s1 =	sadd.s32 s3, s6;
	s6 =	sand.u32 $0x1FFFFFF0, s11;
	s7 =	spop (v2sf)  }
0x60: {  	[tilespmem:s0], [sflag:$0x1] =	stream.linear.gather [hbm4b:s1+s2], $0x80, $0x38;
	(v2sf) =	vpush v0, $0xD;
	[tilespmem:$0x8200] =	vst v63  }
0x61: {  	s0 =	sadd.s32 s3, s10;
	s1 =	sand.u32 $0x1FFFFFF0, s7;
	s7 =	spop (v2sf)  }
0x62: {  	[tilespmem:s31], [sflag:$0x1] =	stream.linear.gather [hbm4b:s0+s2], $0x80, $0x38;
	(v2sf) =	vpush v0, $0xE;
	[tilespmem:$0x8200] =	vst v63  }
0x63: {  	s0 =	sadd.s32 s3, s6;
	s6 =	sand.u32 $0x1FFFFFF0, s7;
	s7 =	spop (v2sf)  }
0x64: {  	[tilespmem:s28], [sflag:$0x1] =	stream.linear.gather [hbm4b:s0+s2], $0x80, $0x38;
	(v2sf) =	vpush v0, $0xF;
	[tilespmem:$0x8200] =	vst v63  }
0x65: {  	s0 =	sadd.s32 s3, s1;
	s1 =	sand.u32 $0x1FFFFFF0, s7;
	s7 =	spop (v2sf)  }
0x66: {  	[tilespmem:s24], [sflag:$0x1] =	stream.linear.gather [hbm4b:s0+s2], $0x80, $0x38;
	[tilespmem:$0x8200] =	vst v63  }
0x67: {  	s0 =	sadd.s32 s3, s6;
	s6 =	sand.u32 $0x1FFFFFF0, s7;
	s7 =	spop (v2sf)  }
0x68: {  	[tilespmem:s23], [sflag:$0x1] =	stream.linear.gather [hbm4b:s0+s2], $0x80, $0x38;
	[tilespmem:$0x8200] =	vst v63  }
.Ltmp0:
0x69: {  	_ = 	snop;
	(pc) =	sbr.rel @p1 .LBB2_3-.Ltmp0, $4  }
0x6a: {  	s0 =	sadd.s32 s3, s1;
	s1 =	sand.u32 $0x1FFFFFF0, s7;
	s7 =	spop (v2sf)  }
0x6b: {  	[tilespmem:s25], [sflag:$0x1] =	stream.linear.gather [hbm4b:s0+s2], $0x80, $0x38;
	[tilespmem:$0x8200] =	vst v63  }
0x6c: {  	s24 =	sadd.s32 s3, s1;
	s0 =	sadd.s32 s3, s6;
	s23 =	sand.u32 $0x1FFFFFF0, s7  }
0x6d: {  	[tilespmem:s26], [sflag:$0x1] =	stream.linear.gather [hbm4b:s0+s2], $0x80, $0x38;
	[tilespmem:$0x8200] =	vst v63  }
0x6e: {  	s0 =	sand.u32 $0x70, s14;
	s1 =	spop (v2sf)  }
0x6f: {  	[tilespmem:s19], [sflag:$0x1] =	stream.linear.gather [hbm4b:s24+s2], $0x80, $0x38;
	[tilespmem:$0x8200] =	vst v63  }
0x70: {  	s6 =	sadd.s32 s3, s23;
	s1 =	sand.u32 $0x1FFFFFF0, s1;
	s7 =	spop (v2sf)  }
0x71: {  	[tilespmem:s20], [sflag:$0x1] =	stream.linear.gather [hbm4b:s6+s2], $0x80, $0x38;
	[tilespmem:$0x8200] =	vst v63  }
0x72: {  	s1 =	sadd.s32 s3, s1;
	s11 =	sand.u32 $0x1FFFFFF0, s7;
	s14 =	spop (v2sf)  }
0x73: {  	[tilespmem:s22], [sflag:$0x1] =	stream.linear.gather [hbm4b:s1+s2], $0x80, $0x38;
	[tilespmem:$0x8200] =	vst v63  }
0x74: {  	s15 =	sadd.s32 s3, s11;
	s19 =	sand.u32 $0x1FFFFFF0, s14;
	s20 =	spop (v2sf)  }
0x75: {  	[tilespmem:s21], [sflag:$0x1] =	stream.linear.gather [hbm4b:s15+s2], $0x80, $0x38;
	[tilespmem:$0x8200] =	vst v63  }
0x76: {  	s6 =	sadd.s32 s3, s19;
	s21 =	sadd.s32 $0x900, s16;
	s7 =	sand.u32 $0x1FFFFFF0, s20  }
0x77: {  	[tilespmem:s21], [sflag:$0x1] =	stream.linear.gather [hbm4b:s6+s2], $0x80, $0x38;
	[tilespmem:$0x8200] =	vst v63  }
0x78: {  	s0 =	sadd.s32 s0, s18;
	s22 =	sadd.s32 s3, s7  }
0x79: {  	[tilespmem:s17], [sflag:$0x1] =	stream.linear.gather [hbm4b:s22+s2], $0x80, $0x38;
	[tilespmem:$0x8200] =	vst v63  }
0x7a: {  	v0 =	vld [tilespmem:s0+$0x0];
	_ =	sdelay $0x4  }
0x7b: {  	v0 =	vshll.u32 v0, $0x4  }
0x7c: {  	(v2sf) =	vpush v0, $0x0  }
0x7d: {  	(v2sf) =	vpush v0, $0x1  }
0x7e: {  	(v2sf) =	vpush v0, $0x2;
	_ =	sdelay $0x1  }
0x7f: {  	(v2sf) =	vpush v0, $0x3;
	_ =	sdelay $0x1  }
0x80: {  	(v2sf) =	vpush v0, $0x4;
	_ =	sdelay $0x1  }
0x81: {  	(v2sf) =	vpush v0, $0x5;
	_ =	sdelay $0x1  }
0x82: {  	s13 =	sshra.s32 s13, $0x2;
	(v2sf) =	vpush v0, $0x6  }
0x83: {  	s23 =	sadd.s32 $0x280, s13;
	s26 =	sadd.s32 $0x200, s13  }
0x84: {  	s10 =	sadd.s32 $0x400, s13;
	s18 =	sadd.s32 $0x600, s13;
	s30 =	sadd.s32 $0x300, s13;
	(v2sf) =	vpush v0, $0x7  }
0x85: {  	s11 =	sadd.s32 $0x480, s13;
	s1 =	sadd.s32 $0x500, s13;
	s14 =	sadd.s32 $0x880, s13  }
0x86: {  	s16 =	sadd.s32 $0x780, s13;
	s15 =	sadd.s32 $0x800, s13;
	s20 =	sadd.s32 $0x680, s13;
	(v2sf) =	vpush v0, $0x8  }
0x87: {  	s6 =	sadd.s32 $0x580, s13;
	s17 =	sadd.s32 $0x700, s13;
	s28 =	spop (v2sf)  }
0x88: {  	s22 =	sadd.s32 $0x380, s13;
	(v2sf) =	vpush v0, $0x9;
	s29 =	spop (v2sf);
	s19 =	sand.u32 $0x1FFFFFF0, s28  }
0x89: {  	s21 =	sand.u32 $0x1FFFFFF0, s29;
	s31 =	spop (v2sf);
	s19 =	sadd.s32 s3, s19  }
0x8a: {  	(v2sf) =	vpush v0, $0xA;
	[tilespmem:s26], [sflag:$0x1] =	stream.linear.gather [hbm4b:s19+s2], $0x80, $0x38;
	[tilespmem:$0x8200] =	vst v63  }
0x8b: {  	s25 =	sand.u32 $0x1FFFFFF0, s31;
	s26 =	spop (v2sf);
	s21 =	sadd.s32 s3, s21  }
0x8c: {  	(v2sf) =	vpush v0, $0xB;
	[tilespmem:s23], [sflag:$0x1] =	stream.linear.gather [hbm4b:s21+s2], $0x80, $0x38;
	[tilespmem:$0x8200] =	vst v63  }
0x8d: {  	s28 =	sand.u32 $0x1FFFFFF0, s26;
	s29 =	spop (v2sf);
	s7 =	sadd.s32 s3, s25  }
0x8e: {  	(v2sf) =	vpush v0, $0xC;
	[tilespmem:s30], [sflag:$0x1] =	stream.linear.gather [hbm4b:s7+s2], $0x80, $0x38;
	[tilespmem:$0x8200] =	vst v63  }
0x8f: {  	s31 =	spop (v2sf);
	s0 =	sadd.s32 s3, s28;
	s30 =	sand.u32 $0x1FFFFFF0, s29  }
0x90: {  	(v2sf) =	vpush v0, $0xD;
	[tilespmem:s22], [sflag:$0x1] =	stream.linear.gather [hbm4b:s0+s2], $0x80, $0x38;
	[tilespmem:$0x8200] =	vst v63  }
0x91: {  	s21 =	sand.u32 $0x1FFFFFF0, s31;
	s7 =	sadd.s32 s3, s30;
	s22 =	spop (v2sf)  }
0x92: {  	(v2sf) =	vpush v0, $0xE;
	[tilespmem:s10], [sflag:$0x1] =	stream.linear.gather [hbm4b:s7+s2], $0x80, $0x38;
	[tilespmem:$0x8200] =	vst v63  }
0x93: {  	s0 =	sadd.s32 s3, s21;
	s23 =	sand.u32 $0x1FFFFFF0, s22;
	s24 =	spop (v2sf)  }
0x94: {  	(v2sf) =	vpush v0, $0xF;
	[tilespmem:s11], [sflag:$0x1] =	stream.linear.gather [hbm4b:s0+s2], $0x80, $0x38;
	[tilespmem:$0x8200] =	vst v63  }
0x95: {  	s25 =	sand.u32 $0x1FFFFFF0, s24;
	s26 =	spop (v2sf);
	s7 =	sadd.s32 s3, s23  }
0x96: {  	[tilespmem:s1], [sflag:$0x1] =	stream.linear.gather [hbm4b:s7+s2], $0x80, $0x38;
	[tilespmem:$0x8200] =	vst v63  }
0x97: {  	s28 =	sand.u32 $0x1FFFFFF0, s26;
	s0 =	sadd.s32 s3, s25;
	s29 =	spop (v2sf)  }
0x98: {  	[tilespmem:s6], [sflag:$0x1] =	stream.linear.gather [hbm4b:s0+s2], $0x80, $0x38;
	[tilespmem:$0x8200] =	vst v63  }
0x99: {  	s1 =	sadd.s32 s3, s28;
	s30 =	sand.u32 $0x1FFFFFF0, s29;
	s31 =	spop (v2sf)  }
0x9a: {  	[tilespmem:s18], [sflag:$0x1] =	stream.linear.gather [hbm4b:s1+s2], $0x80, $0x38;
	[tilespmem:$0x8200] =	vst v63  }
0x9b: {  	s6 =	sand.u32 $0x1FFFFFF0, s31;
	s7 =	spop (v2sf);
	s0 =	sadd.s32 s3, s30  }
0x9c: {  	[tilespmem:s20], [sflag:$0x1] =	stream.linear.gather [hbm4b:s0+s2], $0x80, $0x38;
	[tilespmem:$0x8200] =	vst v63  }
0x9d: {  	s10 =	sadd.s32 s3, s6;
	s11 =	sand.u32 $0x1FFFFFF0, s7;
	s18 =	spop (v2sf)  }
0x9e: {  	[tilespmem:s17], [sflag:$0x1] =	stream.linear.gather [hbm4b:s10+s2], $0x80, $0x38;
	[tilespmem:$0x8200] =	vst v63  }
0x9f: {  	s19 =	sadd.s32 s3, s11;
	s21 =	spop (v2sf);
	s20 =	sand.u32 $0x1FFFFFF0, s18  }
0xa0: {  	[tilespmem:s16], [sflag:$0x1] =	stream.linear.gather [hbm4b:s19+s2], $0x80, $0x38;
	[tilespmem:$0x8200] =	vst v63  }
0xa1: {  	s23 =	sand.u32 $0x1FFFFFF0, s21;
	s24 =	spop (v2sf);
	s22 =	sadd.s32 s3, s20  }
0xa2: {  	[tilespmem:s15], [sflag:$0x1] =	stream.linear.gather [hbm4b:s22+s2], $0x80, $0x38;
	[tilespmem:$0x8200] =	vst v63  }
0xa3: {  	s25 =	sadd.s32 s3, s23;
	s26 =	sand.u32 $0x1FFFFFF0, s24;
	s28 =	spop (v2sf)  }
0xa4: {  	[tilespmem:s14], [sflag:$0x1] =	stream.linear.gather [hbm4b:s25+s2], $0x80, $0x38;
	[tilespmem:$0x8200] =	vst v63  }
0xa5: {  	s29 =	sadd.s32 $0x900, s13;
	s1 =	sadd.s32 s3, s26;
	s6 =	sand.u32 $0x1FFFFFF0, s28  }
0xa6: {  	[tilespmem:s29], [sflag:$0x1] =	stream.linear.gather [hbm4b:s1+s2], $0x80, $0x38;
	[tilespmem:$0x8200] =	vst v63  }
0xa7: {  	s30 =	sadd.s32 $0x980, s13;
	s31 =	sadd.s32 s3, s6  }
0xa8: {  	[tilespmem:s30], [sflag:$0x1] =	stream.linear.gather [hbm4b:s31+s2], $0x80, $0x38;
	[tilespmem:$0x8200] =	vst v63  }
0xa9: {  	_ =	swait.ge [sflag:s9], $0x80  }
0xaa: {  	s13 =	simm.s32 $0xFF;
	[sflag:s9] =	ssyncset.done $0x0  }
.LBB2_5:
0xab: {  	p1 =	sne.s32 s13, $0x1;
	s13 =	sadd.s32 $0xFFFFFFFF, s13;
	[sflag:s9] =	ssyncadd.s32 $0xFFFFFF80  }
.Ltmp1:
0xac: {  	(pc) =	sbr.rel @p1 .LBB2_5-.Ltmp1, $3  }
0xad: {  	_ =	sdelay $0x1  }
0xae: {  	_ =	swait.ge [sflag:s9], $0x80  }
0xaf: {  	[sflag:s9] =	ssyncset.done $0x0  }
0xb0: {  	s0 =	sor.u32 s4, s12  }
0xb1: {  	[sflag:s9] =	ssyncadd.s32 $0xFFFFFF80;
	s0 =	sshll.u32 s0, $0x4  }
.Ltmp2:
0xb2: {  	s1 =	simm.s32 $0x200;
	s0 =	sadd.s32 s5, s0;
	(pc) =	sbr.rel @p0 .LBB2_2-.Ltmp2, $4  }
0xb3: {  	[hbm4b:s0+s2] =	stream.linear.scatter [tilespmem:s1], [sflag:$0x2], $0x8000, $0x38;
	[tilespmem:$0x8200] =	vst v63  }
0xb4: {  	_ =	swait.ge [sflag:s8], $0x8000  }
0xb5: {  	[sflag:s8] =	ssyncset.done $0x0  }
0xb6: {  	s12 =	simm.s32 $0x100;
	p1 =	por $0x0, $0x0;
	[sflag:s8] =	ssyncadd.s32 $0xFFFF8000  }
0xb7: {  	s1 =	rddreg [dreg:$0x5]  }
0xb8: {  	s0 =	rddreg [dreg:$0x4];
	s1 =	sadd.s32 $0x1, s1  }
0xb9: {  	p0 =	sne.s32 s1, s0  }
.Ltmp3:
0xba: {  	_ = 	snop;
	(pc) =	sbr.rel @p0 .LBB2_1-.Ltmp3, $1  }
0xbb: {  	_ =	sdelay $0x3  }
0xbc: {  	_ =	sfence.sel $0x180000  }
0xbd: {  	[bflag:$0x0] =	sbarrier.arrive $0xFFFF  }
0xbe: {  	_ =	strace $0x90000047  }
0xbf: {  	s0 =	stileid.u32;
	[bflag:$0x2] =	sbarrier.arrive $0xFFFF  }
0xc0: {  	p0 =	sne.s32 s0, $0x0;
	s0 =	rddreg [dreg:$0x2]  }
0xc1: {  	s0 =	sadd.s32 @!p0 $0x100000, s0  }
0xc2: {  	[sflag:s0] =	ssyncadd.tile.s32 @!p0 $0x1;
	_ =	shalt  }
.Lfunc_end2:
_tile_overlayer_lowered:
.L_overlay_start_2:
0xc3: {  	(tag) =	ssettag $0x2  }
0xc4: {  	s0 =	rddreg [dreg:$0x0];
	s2 =	stileid.u32  }
0xc5: {  	s1 =	rddreg [dreg:$0x1];
	p0 =	sne.s32 s2, $0x0  }
0xc6: {  	s3 =	rddreg [dreg:$0x2];
	[bflag:$0x3] =	sbarrier.arrive $0xFFFF;
	s2 =	simm.s32 @!p0 $0x1C02  }
0xc7: {  	[timem:s3], [sflag:s2] =	dma.local @!p0 [hbm:s0], s1  }
0xc8: {  	s0 =	simm.s32 @!p0 $0x2  }
0xc9: {  	_ =	swait.ge @!p0 [sflag:s0], s1  }
0xca: {  	s1 =	ssub.s32 @!p0 $0x0, s1;
	[sflag:s0] =	ssyncset.done @!p0 $0x0  }
0xcb: {  	[sflag:s0] =	ssyncadd.s32 @!p0 s1  }
0xcc: {  	[bflag:$0x3] =	sbarrier.arrive $0xFFFF  }
0xcd: {  	_ =	shalt  }

// kernel: kernel.7.cloned.1.call-start
scs
__scs_entry_jumppad:
0x0: {  	(pc) =	sbr.rel $0x88, $3  }
0x1: {  	(tag) =	ssettag $0x0;
	lr =	simm.s32 $0x1  }
0x2: {  	[smem:$0x3F9E] =	sst lr;
	_ =	strace $0xD0000000  }
0x3: {  	_ = 	snop  }
0x4: {  	_ = 	snop  }
0x5: {  	_ = 	snop  }
0x6: {  	_ = 	snop  }
0x7: {  	_ = 	snop  }
__scs_overlays_trampoline_lowered:
0x8: {  	[smem:$0x3FAD] =	sst s0  }
0x9: {  	[smem:$0x3FAE] =	sst s1  }
0xa: {  	[smem:$0x3FAF] =	sst s2  }
0xb: {  	[smem:$0x3FB0] =	sst s3  }
0xc: {  	[smem:$0x3FB1] =	sst s4  }
0xd: {  	[smem:$0x3FB2] =	sst s5  }
0xe: {  	[smem:$0x3FB3] =	sst s6  }
0xf: {  	[smem:$0x3FB4] =	sst s7  }
0x10: {  	[smem:$0x3FB5] =	sst s8  }
0x11: {  	[smem:$0x3FB6] =	sst s9;
	s0 =	simm.s32 @!p0 $0x0  }
0x12: {  	s1 =	sld [smem:$0x3F9C];
	s0 =	simm.s32 @p0 $0x1  }
0x13: {  	[smem:$0x3FB7] =	sst s0;
	s0 =	simm.s32 @!p1 $0x0  }
0x14: {  	s2 =	sld [smem:$0x3F9B];
	s0 =	simm.s32 @p1 $0x1  }
0x15: {  	[smem:$0x3FB8] =	sst s0;
	s0 =	simm.s32 @!p2 $0x0  }
0x16: {  	s3 =	sld [smem:$0x3FDB];
	s0 =	simm.s32 @p2 $0x1  }
0x17: {  	s4 =	simm.s32 $0x1BF5;
	[smem:$0x3FBA] =	sst s0  }
0x18: {  	s0 =	sld [smem:$0x3F9D];
	_ =	swait.ge [sflag:s4], $0x0  }
0x19: {  	s7 =	sld [smem:$0x3F9E]  }
0x1a: {  	s8 =	sadd.s32 $0xFFFFE003, lr  }
0x1b: {  	s9 =	sadd.s32 $0xFFFFFEF7, lr;
	s5 =	simm.s32 $0xFFFFFFFF;
	p2 =	slt.u32 s8, $0xFFFFF086  }
0x1c: {  	p1 =	slt.u32 s9, $0xF7A;
	s5 =	simm.s32 @!p2 $0x0  }
0x1d: {  	s5 =	simm.s32 @p1 $0x1;
	p0 =	seq.s32 s7, s2  }
0x1e: {  	s7 =	smul.u32 @!p0 $0xF7A, s2;
	p2 =	seq.s32 @!p0 s5, $0x0  }
0x1f: {  	s9 =	smul.u32 $0xF7A, s1;
	s8 =	simm.s32 @!p0 $0x1BF5;
	p2 =	por !p2, p0  }
0x20: {  	[sflag:s8] =	ssyncset.s32 @!p0 $0xFFFFF086;
	s6 =	sadd.s32 @!p0 s3, s7;
	s7 =	simm.s32 @!p0 $0x108  }
0x21: {  	s3 =	sadd.s32 s3, s9;
	s6 =	sadd.s32 @!p0 $0x88, s6;
	s7 =	simm.s32 @p2 $0x1082  }
0x22: {  	[simem:s7], [sflag:s8] =	dma.local @!p0 [hbm:s6], $0xF7A  }
0x23: {  	s9 =	sor.u32 $0xD0000000, s2;
	s6 =	simm.s32 $0x108;
	_ =	swait.ge @!p0 [sflag:s8], $0x0  }
0x24: {  	s3 =	sadd.s32 $0x88, s3;
	s6 =	simm.s32 @!p1 $0x1082;
	[sflag:s4] =	ssyncset.s32 $0xFFFFF086  }
0x25: {  	[simem:s6], [sflag:s4] =	dma.local [hbm:s3], $0xF7A  }
0x26: {  	[smem:$0x3F9E] =	sst s1;
	(tag) =	ssettag s2;
	_ =	strace s9  }
0x27: {  	s1 =	sld [smem:$0x3FAE]  }
0x28: {  	s2 =	sld [smem:$0x3FAF]  }
0x29: {  	s4 =	sld [smem:$0x3FB1]  }
0x2a: {  	p0 =	seq.s32 s5, $0x0;
	s5 =	sld [smem:$0x3FB2]  }
0x2b: {  	s6 =	sld [smem:$0x3FB3]  }
0x2c: {  	s7 =	sld [smem:$0x3FB4]  }
0x2d: {  	s3 =	simm.s32 $0x108;
	s8 =	sld [smem:$0x3FB5]  }
0x2e: {  	s3 =	simm.s32 @!p0 $0x1082;
	s9 =	sld [smem:$0x3FB6]  }
0x2f: {  	lr =	sadd.s32 s0, s3;
	s0 =	sld [smem:$0x3FAD]  }
0x30: {  	s3 =	sld [smem:$0x3FB0]  }
0x31: {  	[smem:$0x3FB9] =	sst s10  }
0x32: {  	s10 =	sld [smem:$0x3FB7];
	_ =	sdelay $0x3  }
0x33: {  	p0 =	seq.s32 s10, $0x1;
	s10 =	sld [smem:$0x3FB9];
	_ =	sdelay $0x3  }
0x34: {  	[smem:$0x3FB9] =	sst s10  }
0x35: {  	s10 =	sld [smem:$0x3FB8];
	_ =	sdelay $0x3  }
0x36: {  	p1 =	seq.s32 s10, $0x1;
	s10 =	sld [smem:$0x3FB9];
	_ =	sdelay $0x3  }
0x37: {  	[smem:$0x3FB9] =	sst s10  }
0x38: {  	s10 =	sld [smem:$0x3FBA]  }
0x39: {  	_ = 	snop;
	(pc) =	sbr.ind lr, $3  }
0x3a: {  	_ = 	snop  }
0x3b: {  	_ = 	snop  }
0x3c: {  	p2 =	seq.s32 s10, $0x1;
	s10 =	sld [smem:$0x3FB9]  }
0x3d: {  	_ =	shalt  }
0x3e: {  	_ =	shalt  }
0x3f: {  	_ =	shalt  }
0x40: {  	_ =	shalt  }
0x41: {  	_ =	shalt  }
0x42: {  	_ =	shalt  }
0x43: {  	_ =	shalt  }
0x44: {  	_ =	shalt  }
0x45: {  	_ =	shalt  }
0x46: {  	_ =	shalt  }
0x47: {  	_ =	shalt  }
0x48: {  	_ =	shalt  }
0x49: {  	_ =	shalt  }
0x4a: {  	_ =	shalt  }
0x4b: {  	_ =	shalt  }
0x4c: {  	_ =	shalt  }
0x4d: {  	_ =	shalt  }
0x4e: {  	_ =	shalt  }
0x4f: {  	_ =	shalt  }
0x50: {  	_ =	shalt  }
0x51: {  	_ =	shalt  }
0x52: {  	_ =	shalt  }
0x53: {  	_ =	shalt  }
0x54: {  	_ =	shalt  }
0x55: {  	_ =	shalt  }
0x56: {  	_ =	shalt  }
0x57: {  	_ =	shalt  }
0x58: {  	_ =	shalt  }
0x59: {  	_ =	shalt  }
0x5a: {  	_ =	shalt  }
0x5b: {  	_ =	shalt  }
0x5c: {  	_ =	shalt  }
0x5d: {  	_ =	shalt  }
0x5e: {  	_ =	shalt  }
0x5f: {  	_ =	shalt  }
0x60: {  	_ =	shalt  }
0x61: {  	_ =	shalt  }
0x62: {  	_ =	shalt  }
0x63: {  	_ =	shalt  }
0x64: {  	_ =	shalt  }
0x65: {  	_ =	shalt  }
0x66: {  	_ =	shalt  }
0x67: {  	_ =	shalt  }
0x68: {  	_ =	shalt  }
0x69: {  	_ =	shalt  }
0x6a: {  	_ =	shalt  }
0x6b: {  	_ =	shalt  }
0x6c: {  	_ =	shalt  }
0x6d: {  	_ =	shalt  }
0x6e: {  	_ =	shalt  }
0x6f: {  	_ =	shalt  }
0x70: {  	_ =	shalt  }
0x71: {  	_ =	shalt  }
0x72: {  	_ =	shalt  }
0x73: {  	_ =	shalt  }
0x74: {  	_ =	shalt  }
0x75: {  	_ =	shalt  }
0x76: {  	_ =	shalt  }
0x77: {  	_ =	shalt  }
0x78: {  	_ =	shalt  }
0x79: {  	_ =	shalt  }
0x7a: {  	_ =	shalt  }
0x7b: {  	_ =	shalt  }
0x7c: {  	_ =	shalt  }
0x7d: {  	_ =	shalt  }
0x7e: {  	_ =	shalt  }
0x7f: {  	_ =	shalt  }
0x80: {  	_ =	shalt  }
0x81: {  	_ =	shalt  }
0x82: {  	_ =	shalt  }
0x83: {  	_ =	shalt  }
0x84: {  	_ =	shalt  }
0x85: {  	_ =	shalt  }
0x86: {  	_ =	shalt  }
0x87: {  	_ =	shalt  }
.Lfunc_end0:
.L_simem_size_0:
called_computation.1_lowered:
.L_overlay_start_0:
0x88: {  	s2 =	sld [smem:$0x3FD9]  }
0x89: {  	s3 =	sld [smem:$0x3FFE];
	_ =	sdelay $0x1  }
0x8a: {  	s1 =	srdreg.scid  }
0x8b: {  	s0 =	sand.u32 $0x1, s1  }
0x8c: {  	s17 =	sshll.u32 s0, $0xA;
	s2 =	sadd.s32 s3, s2  }
0x8d: {  	s2 =	sadd.s32 s2, s17  }
0x8e: {  	[smem:$0x3FC5] =	sst s2  }
0x8f: {  	_ = 	snop  }
0x90: {  	s2 =	sld [smem:$0x3FD0];
	(tm) =	ssettm $0x1  }
0x91: {  	s18 =	sld [smem:$0x3FFB];
	_ =	sdelay $0x3  }
0x92: {  	_ =	strace s18  }
0x93: {  	s3 =	sld [smem:$0x3FFC];
	_ =	sdelay $0x3  }
0x94: {  	_ =	strace s3  }
0x95: {  	s3 =	sld [smem:$0x3FFD];
	_ =	sdelay $0x3  }
0x96: {  	_ =	strace s3  }
0x97: {  	_ =	strace $0x8FFFFFFF  }
0x98: {  	s19 =	sld [smem:$0x3FDB];
	_ =	sdelay $0x1  }
0x99: {  	s4 =	simm.s32 $_scs_section_size  }
0x9a: {  	s5 =	simm.s32 $_size__tile_overlayer_lowered;
	s6 =	simm.s32 $_tile_overlayer_lowered  }
0x9b: {  	s22 =	simm.s32 $0x1BFF;
	s21 =	sshll.u32 s6, $0x1;
	s3 =	sadd.s32 s4, s19  }
0x9c: {  	s7 =	simm.s32 $0x0;
	s20 =	sshll.u32 s5, $0x1;
	s5 =	sadd.s32 s21, s3  }
0x9d: {  	[timem:s7], [sflag:s22] =	dma.local [hbm:s5], s20  }
0x9e: {  	_ =	swait.ge [sflag:s22], s20  }
0x9f: {  	s4 =	ssub.s32 $0x0, s20;
	[sflag:s22] =	ssyncset.done $0x0  }
0xa0: {  	[sflag:s22] =	ssyncadd.s32 s4;
	_ =	sdelay $0x1  }
0xa1: {  	s23 =	simm.s32 $0x1B8B  }
0xa2: {  	_ =	swait.ge [sflag:s23], $0x1  }
0xa3: {  	[sflag:s23] =	ssyncset.done $0x0  }
0xa4: {  	s25 =	simm.s32 $0x1B8E;
	s24 =	sld [smem:$0x3FFE];
	[sflag:s23] =	ssyncadd.s32 $0xFFFFFFFF  }
0xa5: {  	s26 =	simm.s32 $execute0_lowered;
	[smem:$0x3FD2] =	sst s25  }
0xa6: {  	s5 =	sshll.u32 s26, $0x1;
	_ =	strace $0x80000049;
	[dreg:$0x1] =	wrdreg $0xFFFFFFFF  }
0xa7: {  	s28 =	simm.s32 $_size_execute0_lowered;
	s3 =	sadd.s32 s3, s5;
	[dreg:$0x0] =	wrdreg $0x0  }
0xa8: {  	s5 =	sshll.u32 s28, $0x1;
	[dreg:$0x2] =	wrdreg s3  }
0xa9: {  	[dreg:$0x3] =	wrdreg s5  }
0xaa: {  	[dreg:$0x4] =	wrdreg $0xC0  }
0xab: {  	_ =	task [dreg:s7], $0x5FFFF  }
0xac: {  	[dreg:$0x1] =	wrdreg $0xFFFFFFFF  }
0xad: {  	[dreg:$0x0] =	wrdreg $0x60  }
0xae: {  	[dreg:$0x2] =	wrdreg s24  }
0xaf: {  	[dreg:$0x3] =	wrdreg s2  }
0xb0: {  	[dreg:$0x4] =	wrdreg $0x9  }
0xb1: {  	_ =	task.clear_ibuf [dreg:s7], $0x5FFFF;
	_ =	strace $0x90000049  }
0xb2: {  	s29 =	simm.s32 $0x9;
	_ =	strace $0x8000004B  }
0xb3: {  	_ =	swait.ge [sflag:s29], $0x1  }
0xb4: {  	[sflag:s29] =	ssyncadd.s32 $0xFFFFFFFF  }
0xb5: {  	_ =	strace $0x9000004B  }
0xb6: {  	_ =	sfence  }
0xb7: {  	s30 =	sld [smem:$0x0];
	_ =	sdelay $0x2  }
0xb8: {  	s31 =	sshll.u32 s1, $0xD;
	s1 =	sshrl.u32 s1, $0x2  }
0xb9: {  	s3 =	sand.u32 $0x4000, s31;
	s1 =	sadd.s32 s1, s30  }
0xba: {  	s0 =	sor.u32 s3, s0;
	s1 =	sshll.u32 s1, $0x11  }
0xbb: {  	s0 =	sor.u32 s1, s0  }
0xbc: {  	s0 =	sadd.s32 $0x8F2B, s0  }
0xbd: {  	[sflag:s0] =	ssyncadd.remote.s32 $0x1  }
0xbe: {  	_ =	sfence.sel $0xFFFF  }
0xbf: {  	[dreg:$0x0] =	wrdreg $0xFFFFFFFF;
	(pc) =	sbr.abs _section_cstart, $3  }
0xc0: {  	[dreg:$0x1] =	wrdreg $0xFFFFFFFF  }
0xc1: {  	_ =	task.clear_ibuf [dreg:s7], $0x2FFFF;
	_ =	strace $0x9FFFFFFF  }
0xc2: {  	(tm) =	ssettm $0x7FFFFFFF  }
0xc3: {  	_ =	shalt  }
tec
execute0_lowered:
.L_overlay_start_1:
0x0: {  	(tag) =	ssettag $0x1  }
0x1: {  	s4 =	rddreg [dreg:$0x0]  }
0x2: {  	s6 =	rddreg [dreg:$0x1];
	s2 =	srdreg.scid  }
0x3: {  	s0 =	rddreg [dreg:$0x2];
	s1 =	stileid.u32  }
0x4: {  	s11 =	simm.s32 $0x1;
	s12 =	simm.s32 $0x2;
	s13 =	simm.s32 $0x10400  }
0x5: {  	v0 =	vlaneseq.u32;
	s14 =	simm.s32 $0x10200;
	s15 =	simm.s32 $0x0;
	s3 =	sand.u32 $0x1, s2  }
0x6: {  	s2 =	simm.s32 $0x0;
	s5 =	sshll.u32 s1, $0xA;
	v0 =	vmul.u32 $0x10, v0;
	s7 =	sshll.u32 s3, $0x9  }
0x7: {  	[smem:$0x7FF] =	sst s2;
	s8 =	ssub.s32 $0x2, s3;
	s3 =	sadd.s32 $0x1EC5A00, s4  }
0x8: {  	s5 =	sor.u32 s7, s5;
	_ =	strace $0x8000004A;
	s10 =	sshrl.u32 s8, $0x1;
	v1 =	vor.u32 $0x1, v0;
	v2 =	vor.u32 $0x2, v0;
	v3 =	vor.u32 $0x3, v0  }
0x9: {  	v4 =	vor.u32 $0x4, v0;
	v5 =	vor.u32 $0x5, v0;
	v6 =	vor.u32 $0x6, v0;
	s7 =	sshrl.u32 s5, $0x3;
	s5 =	sshll.u32 s5, $0x3;
	s8 =	ssub.s32 s8, s10  }
0xa: {  	v7 =	vor.u32 $0x7, v0;
	v8 =	vor.u32 $0x8, v0;
	v9 =	vor.u32 $0x9, v0;
	s10 =	simm.s32 $0x8200;
	s9 =	sadd.s32 s7, s4;
	s5 =	sadd.s32 s5, s4  }
0xb: {  	v10 =	vor.u32 $0xA, v0;
	v11 =	vor.u32 $0xB, v0;
	v12 =	vor.u32 $0xC, v0;
	s6 =	sadd.s32 s6, s7;
	s7 =	smax.u32 s8, $0x1;
	s8 =	simm.s32 $0x3  }
0xc: {  	v13 =	vor.u32 $0xD, v0;
	v14 =	vor.u32 $0xE, v0;
	v15 =	vor.u32 $0xF, v0;
	s4 =	sadd.s32 $0xA00, s9;
	s5 =	sadd.s32 $0x1200, s5;
	s9 =	simm.s32 $0x200  }
.LBB2_1:
0xd: {  	[tilespmem:s2], [sflag:$0x3] =	stream.linear.gather [hbm4b:s4+s2], $0x200, $0x38;
	[tilespmem:$0x10500] =	vst v63  }
0xe: {  	_ =	swait.ge [sflag:s8], $0x200  }
0xf: {  	[sflag:s8] =	ssyncset.done $0x0  }
0x10: {  	[sflag:s8] =	ssyncadd.s32 $0xFFFFFE00  }
0x11: {  	[tilespmem:s9], [sflag:$0x1] =	stream.linear.gather [hbm4b:s5+s2], $0x8000, $0x38;
	[tilespmem:$0x10500] =	vst v63  }
0x12: {  	_ = 	snop  }
0x13: {  	[tilespmem:s10], [sflag:$0x2] =	stream.indirect.gather [hbm4b:s3+s9], $0x40, s2, s9, $0xb8;
	[tilespmem:$0x10500] =	vst v63  }
0x14: {  	_ =	swait.ge [sflag:s11], $0x8000  }
0x15: {  	[sflag:s11] =	ssyncset.done $0x0  }
0x16: {  	[sflag:s11] =	ssyncadd.s32 $0xFFFF8000  }
0x17: {  	_ =	swait.ge [sflag:s12], $0x8000  }
0x18: {  	[sflag:s12] =	ssyncset.done $0x0  }
0x19: {  	s16 =	simm.s32 $0x0;
	[sflag:s12] =	ssyncadd.s32 $0xFFFF8000  }
0x1a: {  	v16 =	vld [tilespmem:s16+$0x8210]  }
0x1b: {  	v17 =	vld [tilespmem:s16+$0x200]  }
0x1c: {  	v18 =	vld [tilespmem:s16+$0x210]  }
0x1d: {  	v19 =	vld [tilespmem:s16+$0x8200]  }
0x1e: {  	v20 =	vld [tilespmem:s16+$0x8220]  }
0x1f: {  	v21 =	vld [tilespmem:s16+$0x220]  }
0x20: {  	v22 =	vld [tilespmem:s16+$0x8230]  }
0x21: {  	v23 =	vld [tilespmem:s16+$0x230]  }
0x22: {  	v16 =	vmul.f32 v16, v18;
	v17 =	vmul.f32 v19, v17;
	_ =	sdelay $0x1  }
0x23: {  	v16 =	vadd.f32 v16, v17;
	v17 =	vmul.f32 v20, v21;
	_ =	sdelay $0x1  }
0x24: {  	v16 =	vadd.f32 v17, v16;
	v17 =	vmul.f32 v22, v23;
	_ =	sdelay $0x1  }
0x25: {  	v16 =	vadd.f32 v17, v16;
	_ =	sdelay $0x1  }
0x26: {  	[tilespmem:$0x10400] =	vst v16  }
0x27: {  	v16 =	vld [tilespmem:s16+$0x240]  }
0x28: {  	v17 =	vld [tilespmem:s16+$0x8240]  }
0x29: {  	v18 =	vld [tilespmem:s16+$0x250]  }
0x2a: {  	v19 =	vld [tilespmem:s16+$0x8250]  }
0x2b: {  	v20 =	vld [tilespmem:s16+$0x8260]  }
0x2c: {  	v21 =	vld [tilespmem:s16+$0x260]  }
0x2d: {  	v22 =	vld [tilespmem:s16+$0x8270]  }
0x2e: {  	v23 =	vld [tilespmem:s16+$0x270]  }
0x2f: {  	v16 =	vmul.f32 v17, v16;
	v17 =	vmul.f32 v19, v18;
	_ =	sdelay $0x1  }
0x30: {  	v16 =	vadd.f32 v17, v16;
	v17 =	vmul.f32 v20, v21;
	_ =	sdelay $0x1  }
0x31: {  	v16 =	vadd.f32 v17, v16;
	v17 =	vmul.f32 v22, v23;
	_ =	sdelay $0x1  }
0x32: {  	v16 =	vadd.f32 v17, v16;
	_ =	sdelay $0x1  }
0x33: {  	[tilespmem:$0x10410] =	vst v16  }
0x34: {  	v16 =	vld [tilespmem:s16+$0x8290]  }
0x35: {  	v17 =	vld [tilespmem:s16+$0x280]  }
0x36: {  	v18 =	vld [tilespmem:s16+$0x8280]  }
0x37: {  	v19 =	vld [tilespmem:s16+$0x290]  }
0x38: {  	v20 =	vld [tilespmem:s16+$0x82A0]  }
0x39: {  	v21 =	vld [tilespmem:s16+$0x2A0]  }
0x3a: {  	v22 =	vld [tilespmem:s16+$0x82B0]  }
0x3b: {  	v23 =	vld [tilespmem:s16+$0x2B0]  }
0x3c: {  	v17 =	vmul.f32 v18, v17;
	v16 =	vmul.f32 v16, v19;
	_ =	sdelay $0x1  }
0x3d: {  	v16 =	vadd.f32 v16, v17;
	v17 =	vmul.f32 v20, v21;
	_ =	sdelay $0x1  }
0x3e: {  	v16 =	vadd.f32 v17, v16;
	v17 =	vmul.f32 v22, v23;
	_ =	sdelay $0x1  }
0x3f: {  	v16 =	vadd.f32 v17, v16;
	_ =	sdelay $0x1  }
0x40: {  	[tilespmem:$0x10420] =	vst v16  }
0x41: {  	v16 =	vld [tilespmem:s16+$0x82D0]  }
0x42: {  	v17 =	vld [tilespmem:s16+$0x2C0]  }
0x43: {  	v18 =	vld [tilespmem:s16+$0x82C0]  }
0x44: {  	v19 =	vld [tilespmem:s16+$0x2D0]  }
0x45: {  	v20 =	vld [tilespmem:s16+$0x2E0]  }
0x46: {  	v21 =	vld [tilespmem:s16+$0x82E0]  }
0x47: {  	v22 =	vld [tilespmem:s16+$0x82F0]  }
0x48: {  	v23 =	vld [tilespmem:s16+$0x2F0]  }
0x49: {  	v17 =	vmul.f32 v18, v17;
	v16 =	vmul.f32 v16, v19;
	_ =	sdelay $0x1  }
0x4a: {  	v16 =	vadd.f32 v16, v17;
	v17 =	vmul.f32 v21, v20;
	_ =	sdelay $0x1  }
0x4b: {  	v16 =	vadd.f32 v17, v16;
	v17 =	vmul.f32 v22, v23;
	_ =	sdelay $0x1  }
0x4c: {  	v16 =	vadd.f32 v17, v16;
	_ =	sdelay $0x1  }
0x4d: {  	[tilespmem:$0x10430] =	vst v16  }
0x4e: {  	v16 =	vld [tilespmem:s16+$0x8300]  }
0x4f: {  	v17 =	vld [tilespmem:s16+$0x8310]  }
0x50: {  	v18 =	vld [tilespmem:s16+$0x300]  }
0x51: {  	v19 =	vld [tilespmem:s16+$0x310]  }
0x52: {  	v20 =	vld [tilespmem:s16+$0x320]  }
0x53: {  	v21 =	vld [tilespmem:s16+$0x8320]  }
0x54: {  	v22 =	vld [tilespmem:s16+$0x8330]  }
0x55: {  	v23 =	vld [tilespmem:s16+$0x330]  }
0x56: {  	v16 =	vmul.f32 v16, v18;
	v17 =	vmul.f32 v17, v19;
	_ =	sdelay $0x1  }
0x57: {  	v16 =	vadd.f32 v17, v16;
	v17 =	vmul.f32 v21, v20;
	_ =	sdelay $0x1  }
0x58: {  	v16 =	vadd.f32 v17, v16;
	v17 =	vmul.f32 v22, v23;
	_ =	sdelay $0x1  }
0x59: {  	v16 =	vadd.f32 v17, v16;
	_ =	sdelay $0x1  }
0x5a: {  	[tilespmem:$0x10440] =	vst v16  }
0x5b: {  	v16 =	vld [tilespmem:s16+$0x8340]  }
0x5c: {  	v17 =	vld [tilespmem:s16+$0x8350]  }
0x5d: {  	v18 =	vld [tilespmem:s16+$0x340]  }
0x5e: {  	v19 =	vld [tilespmem:s16+$0x350]  }
0x5f: {  	v20 =	vld [tilespmem:s16+$0x360]  }
0x60: {  	v21 =	vld [tilespmem:s16+$0x8360]  }
0x61: {  	v22 =	vld [tilespmem:s16+$0x8370]  }
0x62: {  	v23 =	vld [tilespmem:s16+$0x370]  }
0x63: {  	v16 =	vmul.f32 v16, v18;
	v17 =	vmul.f32 v17, v19;
	_ =	sdelay $0x1  }
0x64: {  	v16 =	vadd.f32 v17, v16;
	v17 =	vmul.f32 v21, v20;
	_ =	sdelay $0x1  }
0x65: {  	v16 =	vadd.f32 v17, v16;
	v17 =	vmul.f32 v22, v23;
	_ =	sdelay $0x1  }
0x66: {  	v16 =	vadd.f32 v17, v16;
	_ =	sdelay $0x1  }
0x67: {  	[tilespmem:$0x10450] =	vst v16  }
0x68: {  	v16 =	vld [tilespmem:s16+$0x8380]  }
0x69: {  	v17 =	vld [tilespmem:s16+$0x8390]  }
0x6a: {  	v18 =	vld [tilespmem:s16+$0x390]  }
0x6b: {  	v19 =	vld [tilespmem:s16+$0x380]  }
0x6c: {  	v20 =	vld [tilespmem:s16+$0x83A0]  }
0x6d: {  	v21 =	vld [tilespmem:s16+$0x3A0]  }
0x6e: {  	v22 =	vld [tilespmem:s16+$0x83B0]  }
0x6f: {  	v23 =	vld [tilespmem:s16+$0x3B0]  }
0x70: {  	v17 =	vmul.f32 v17, v18;
	v16 =	vmul.f32 v16, v19;
	_ =	sdelay $0x1  }
0x71: {  	v16 =	vadd.f32 v17, v16;
	v17 =	vmul.f32 v20, v21;
	_ =	sdelay $0x1  }
0x72: {  	v16 =	vadd.f32 v17, v16;
	v17 =	vmul.f32 v22, v23;
	_ =	sdelay $0x1  }
0x73: {  	v16 =	vadd.f32 v17, v16;
	_ =	sdelay $0x1  }
0x74: {  	[tilespmem:$0x10460] =	vst v16  }
0x75: {  	v16 =	vld [tilespmem:s16+$0x3C0]  }
0x76: {  	v17 =	vld [tilespmem:s16+$0x83C0]  }
0x77: {  	v18 =	vld [tilespmem:s16+$0x83D0]  }
0x78: {  	v19 =	vld [tilespmem:s16+$0x3D0]  }
0x79: {  	v20 =	vld [tilespmem:s16+$0x83E0]  }
0x7a: {  	v21 =	vld [tilespmem:s16+$0x3E0]  }
0x7b: {  	v22 =	vld [tilespmem:s16+$0x83F0]  }
0x7c: {  	v23 =	vld [tilespmem:s16+$0x3F0]  }
0x7d: {  	v16 =	vmul.f32 v17, v16;
	v17 =	vmul.f32 v18, v19;
	_ =	sdelay $0x1  }
0x7e: {  	v16 =	vadd.f32 v17, v16;
	v17 =	vmul.f32 v20, v21;
	_ =	sdelay $0x1  }
0x7f: {  	v16 =	vadd.f32 v17, v16;
	v17 =	vmul.f32 v22, v23;
	_ =	sdelay $0x1  }
0x80: {  	v16 =	vadd.f32 v17, v16;
	_ =	sdelay $0x1  }
0x81: {  	[tilespmem:$0x10470] =	vst v16  }
0x82: {  	v16 =	vld [tilespmem:s16+$0x8400]  }
0x83: {  	v17 =	vld [tilespmem:s16+$0x8410]  }
0x84: {  	v18 =	vld [tilespmem:s16+$0x400]  }
0x85: {  	v19 =	vld [tilespmem:s16+$0x410]  }
0x86: {  	v20 =	vld [tilespmem:s16+$0x8420]  }
0x87: {  	v21 =	vld [tilespmem:s16+$0x420]  }
0x88: {  	v22 =	vld [tilespmem:s16+$0x8430]  }
0x89: {  	v23 =	vld [tilespmem:s16+$0x430]  }
0x8a: {  	v16 =	vmul.f32 v16, v18;
	v17 =	vmul.f32 v17, v19;
	_ =	sdelay $0x1  }
0x8b: {  	v16 =	vadd.f32 v17, v16;
	v17 =	vmul.f32 v20, v21;
	_ =	sdelay $0x1  }
0x8c: {  	v16 =	vadd.f32 v17, v16;
	v17 =	vmul.f32 v22, v23;
	_ =	sdelay $0x1  }
0x8d: {  	v16 =	vadd.f32 v17, v16;
	_ =	sdelay $0x1  }
0x8e: {  	[tilespmem:$0x10480] =	vst v16  }
0x8f: {  	v16 =	vld [tilespmem:s16+$0x8440]  }
0x90: {  	v17 =	vld [tilespmem:s16+$0x8450]  }
0x91: {  	v18 =	vld [tilespmem:s16+$0x450]  }
0x92: {  	v19 =	vld [tilespmem:s16+$0x440]  }
0x93: {  	v20 =	vld [tilespmem:s16+$0x460]  }
0x94: {  	v21 =	vld [tilespmem:s16+$0x8460]  }
0x95: {  	v22 =	vld [tilespmem:s16+$0x470]  }
0x96: {  	v23 =	vld [tilespmem:s16+$0x8470]  }
0x97: {  	v17 =	vmul.f32 v17, v18;
	v16 =	vmul.f32 v16, v19;
	_ =	sdelay $0x1  }
0x98: {  	v16 =	vadd.f32 v17, v16;
	v17 =	vmul.f32 v21, v20;
	_ =	sdelay $0x1  }
0x99: {  	v16 =	vadd.f32 v17, v16;
	v17 =	vmul.f32 v23, v22;
	_ =	sdelay $0x1  }
0x9a: {  	v16 =	vadd.f32 v17, v16;
	_ =	sdelay $0x1  }
0x9b: {  	[tilespmem:$0x10490] =	vst v16  }
0x9c: {  	v16 =	vld [tilespmem:s16+$0x8490]  }
0x9d: {  	v17 =	vld [tilespmem:s16+$0x8480]  }
0x9e: {  	v18 =	vld [tilespmem:s16+$0x480]  }
0x9f: {  	v19 =	vld [tilespmem:s16+$0x490]  }
0xa0: {  	v20 =	vld [tilespmem:s16+$0x4A0]  }
0xa1: {  	v21 =	vld [tilespmem:s16+$0x84A0]  }
0xa2: {  	v22 =	vld [tilespmem:s16+$0x4B0]  }
0xa3: {  	v23 =	vld [tilespmem:s16+$0x84B0]  }
0xa4: {  	v17 =	vmul.f32 v17, v18;
	v16 =	vmul.f32 v16, v19;
	_ =	sdelay $0x1  }
0xa5: {  	v16 =	vadd.f32 v16, v17;
	v17 =	vmul.f32 v21, v20;
	_ =	sdelay $0x1  }
0xa6: {  	v16 =	vadd.f32 v17, v16;
	v17 =	vmul.f32 v23, v22;
	_ =	sdelay $0x1  }
0xa7: {  	v16 =	vadd.f32 v17, v16;
	_ =	sdelay $0x1  }
0xa8: {  	[tilespmem:$0x104A0] =	vst v16  }
0xa9: {  	v16 =	vld [tilespmem:s16+$0x84C0]  }
0xaa: {  	v17 =	vld [tilespmem:s16+$0x84D0]  }
0xab: {  	v18 =	vld [tilespmem:s16+$0x4C0]  }
0xac: {  	v19 =	vld [tilespmem:s16+$0x4D0]  }
0xad: {  	v20 =	vld [tilespmem:s16+$0x4E0]  }
0xae: {  	v21 =	vld [tilespmem:s16+$0x84E0]  }
0xaf: {  	v22 =	vld [tilespmem:s16+$0x4F0]  }
0xb0: {  	v23 =	vld [tilespmem:s16+$0x84F0]  }
0xb1: {  	v16 =	vmul.f32 v16, v18;
	v17 =	vmul.f32 v17, v19;
	_ =	sdelay $0x1  }
0xb2: {  	v16 =	vadd.f32 v17, v16;
	v17 =	vmul.f32 v21, v20;
	_ =	sdelay $0x1  }
0xb3: {  	v16 =	vadd.f32 v17, v16;
	v17 =	vmul.f32 v23, v22;
	_ =	sdelay $0x1  }
0xb4: {  	v16 =	vadd.f32 v17, v16;
	_ =	sdelay $0x1  }
0xb5: {  	[tilespmem:$0x104B0] =	vst v16  }
0xb6: {  	v16 =	vld [tilespmem:s16+$0x8500]  }
0xb7: {  	v17 =	vld [tilespmem:s16+$0x8510]  }
0xb8: {  	v18 =	vld [tilespmem:s16+$0x500]  }
0xb9: {  	v19 =	vld [tilespmem:s16+$0x510]  }
0xba: {  	v20 =	vld [tilespmem:s16+$0x520]  }
0xbb: {  	v21 =	vld [tilespmem:s16+$0x8520]  }
0xbc: {  	v22 =	vld [tilespmem:s16+$0x530]  }
0xbd: {  	v23 =	vld [tilespmem:s16+$0x8530]  }
0xbe: {  	v16 =	vmul.f32 v16, v18;
	v17 =	vmul.f32 v17, v19;
	_ =	sdelay $0x1  }
0xbf: {  	v16 =	vadd.f32 v17, v16;
	v17 =	vmul.f32 v21, v20;
	_ =	sdelay $0x1  }
0xc0: {  	v16 =	vadd.f32 v17, v16;
	v17 =	vmul.f32 v23, v22;
	_ =	sdelay $0x1  }
0xc1: {  	v16 =	vadd.f32 v17, v16;
	_ =	sdelay $0x1  }
0xc2: {  	[tilespmem:$0x104C0] =	vst v16  }
0xc3: {  	v16 =	vld [tilespmem:s16+$0x8540]  }
0xc4: {  	v17 =	vld [tilespmem:s16+$0x8550]  }
0xc5: {  	v18 =	vld [tilespmem:s16+$0x540]  }
0xc6: {  	v19 =	vld [tilespmem:s16+$0x550]  }
0xc7: {  	v20 =	vld [tilespmem:s16+$0x560]  }
0xc8: {  	v21 =	vld [tilespmem:s16+$0x8560]  }
0xc9: {  	v22 =	vld [tilespmem:s16+$0x570]  }
0xca: {  	v23 =	vld [tilespmem:s16+$0x8570]  }
0xcb: {  	v16 =	vmul.f32 v16, v18;
	v17 =	vmul.f32 v17, v19;
	_ =	sdelay $0x1  }
0xcc: {  	v16 =	vadd.f32 v17, v16;
	v17 =	vmul.f32 v21, v20;
	_ =	sdelay $0x1  }
0xcd: {  	v16 =	vadd.f32 v17, v16;
	v17 =	vmul.f32 v23, v22;
	_ =	sdelay $0x1  }
0xce: {  	v16 =	vadd.f32 v17, v16;
	_ =	sdelay $0x1  }
0xcf: {  	[tilespmem:$0x104D0] =	vst v16  }
0xd0: {  	v16 =	vld [tilespmem:s16+$0x8580]  }
0xd1: {  	v17 =	vld [tilespmem:s16+$0x8590]  }
0xd2: {  	v18 =	vld [tilespmem:s16+$0x590]  }
0xd3: {  	v19 =	vld [tilespmem:s16+$0x580]  }
0xd4: {  	v20 =	vld [tilespmem:s16+$0x5A0]  }
0xd5: {  	v21 =	vld [tilespmem:s16+$0x85A0]  }
0xd6: {  	v22 =	vld [tilespmem:s16+$0x5B0]  }
0xd7: {  	v23 =	vld [tilespmem:s16+$0x85B0]  }
0xd8: {  	v17 =	vmul.f32 v17, v18;
	v16 =	vmul.f32 v16, v19;
	_ =	sdelay $0x1  }
0xd9: {  	v16 =	vadd.f32 v17, v16;
	v17 =	vmul.f32 v21, v20;
	_ =	sdelay $0x1  }
0xda: {  	v16 =	vadd.f32 v17, v16;
	v17 =	vmul.f32 v23, v22;
	_ =	sdelay $0x1  }
0xdb: {  	v16 =	vadd.f32 v17, v16;
	_ =	sdelay $0x1  }
0xdc: {  	[tilespmem:$0x104E0] =	vst v16  }
0xdd: {  	v16 =	vld [tilespmem:s16+$0x5E0]  }
0xde: {  	v17 =	vld [tilespmem:s16+$0x5C0]  }
0xdf: {  	v18 =	vld [tilespmem:s16+$0x85E0]  }
0xe0: {  	v19 =	vld [tilespmem:s16+$0x85D0]  }
0xe1: {  	v22 =	vld [tilespmem:s16+$0x85C0]  }
0xe2: {  	v21 =	vld [tilespmem:s16+$0x5D0]  }
0xe3: {  	s18 =	simm.s32 $0x1000;
	s19 =	simm.s32 $0x10200;
	s17 =	simm.s32 $0x10200;
	v20 =	vld [tilespmem:s16+$0x5F0]  }
.LBB2_2:
0xe4: {  	p0 =	sne.s32 s18, $0x1F000  }
0xe5: {  	v23 =	vld [tilespmem:s16+$0x85F0];
	s19 =	sadd.s32 $0x10, s19;
	s16 =	smov.u32 s18;
	s18 =	sadd.s32 $0x1000, s18  }
0xe6: {  	_ = 	snop  }
0xe7: {  	v16 =	vmul.f32 v18, v16;
	v17 =	vmul.f32 v22, v17  }
0xe8: {  	v18 =	vmul.f32 v19, v21;
	_ =	sdelay $0x1  }
0xe9: {  	v17 =	vadd.f32 v18, v17;
	v18 =	vmul.f32 v23, v20;
	_ =	sdelay $0x1  }
0xea: {  	v16 =	vadd.f32 v16, v17;
	_ =	sdelay $0x1  }
0xeb: {  	v16 =	vadd.f32 v18, v16;
	_ =	sdelay $0x1  }
0xec: {  	[tilespmem:$0x104F0] =	vst v16  }
0xed: {  	v16 =	vld.idx.msk [tilespmem:v0+s13+$0x0], $0xffff  }
0xee: {  	v17 =	vld.idx.msk [tilespmem:v1+s13+$0x0], $0xffff  }
0xef: {  	v18 =	vld.idx.msk [tilespmem:v2+s13+$0x0], $0xffff  }
0xf0: {  	v19 =	vld.idx.msk [tilespmem:v3+s13+$0x0], $0xffff  }
0xf1: {  	v20 =	vld.idx.msk [tilespmem:v4+s13+$0x0], $0xffff  }
0xf2: {  	v21 =	vld.idx.msk [tilespmem:v5+s13+$0x0], $0xffff  }
0xf3: {  	v16 =	vadd.f32 $0.0e+00, v16;
	v22 =	vld.idx.msk [tilespmem:v6+s13+$0x0], $0xffff  }
0xf4: {  	v23 =	vld.idx.msk [tilespmem:v7+s13+$0x0], $0xffff  }
0xf5: {  	v16 =	vadd.f32 v17, v16;
	v17 =	vld.idx.msk [tilespmem:v8+s13+$0x0], $0xffff  }
0xf6: {  	v24 =	vld.idx.msk [tilespmem:v9+s13+$0x0], $0xffff  }
0xf7: {  	v16 =	vadd.f32 v18, v16;
	v18 =	vld.idx.msk [tilespmem:v10+s13+$0x0], $0xffff  }
0xf8: {  	v25 =	vld.idx.msk [tilespmem:v11+s13+$0x0], $0xffff  }
0xf9: {  	v16 =	vadd.f32 v19, v16;
	v19 =	vld.idx.msk [tilespmem:v12+s13+$0x0], $0xffff  }
0xfa: {  	v26 =	vld.idx.msk [tilespmem:v13+s13+$0x0], $0xffff  }
0xfb: {  	v16 =	vadd.f32 v20, v16;
	v20 =	vld.idx.msk [tilespmem:v14+s13+$0x0], $0xffff  }
0xfc: {  	v27 =	vld.idx.msk [tilespmem:v15+s13+$0x0], $0xffff  }
0xfd: {  	v16 =	vadd.f32 v21, v16;
	_ =	sdelay $0x1  }
0xfe: {  	v16 =	vadd.f32 v22, v16;
	_ =	sdelay $0x1  }
0xff: {  	v16 =	vadd.f32 v23, v16;
	_ =	sdelay $0x1  }
0x100: {  	v16 =	vadd.f32 v17, v16;
	_ =	sdelay $0x1  }
0x101: {  	v16 =	vadd.f32 v24, v16;
	_ =	sdelay $0x1  }
0x102: {  	v16 =	vadd.f32 v18, v16;
	_ =	sdelay $0x1  }
0x103: {  	v16 =	vadd.f32 v25, v16;
	_ =	sdelay $0x1  }
0x104: {  	v16 =	vadd.f32 v19, v16;
	_ =	sdelay $0x1  }
0x105: {  	v16 =	vadd.f32 v26, v16;
	_ =	sdelay $0x1  }
0x106: {  	v16 =	vadd.f32 v20, v16;
	_ =	sdelay $0x1  }
0x107: {  	v16 =	vadd.f32 v27, v16;
	_ =	sdelay $0x1  }
0x108: {  	s16 =	sshra.s32 s16, $0x2;
	[tilespmem:s17+$0x0] =	vst v16;
	s17 =	smov.u32 s19  }
0x109: {  	v16 =	vld [tilespmem:s16+$0x8210]  }
0x10a: {  	v17 =	vld [tilespmem:s16+$0x200]  }
0x10b: {  	v18 =	vld [tilespmem:s16+$0x210]  }
0x10c: {  	v19 =	vld [tilespmem:s16+$0x8200]  }
0x10d: {  	v20 =	vld [tilespmem:s16+$0x8220]  }
0x10e: {  	v21 =	vld [tilespmem:s16+$0x220]  }
0x10f: {  	v22 =	vld [tilespmem:s16+$0x8230]  }
0x110: {  	v16 =	vmul.f32 v16, v18;
	v18 =	vld [tilespmem:s16+$0x230]  }
0x111: {  	v17 =	vmul.f32 v19, v17;
	_ =	sdelay $0x1  }
0x112: {  	v16 =	vadd.f32 v16, v17;
	v17 =	vmul.f32 v20, v21;
	_ =	sdelay $0x1  }
0x113: {  	v16 =	vadd.f32 v17, v16;
	v17 =	vmul.f32 v22, v18;
	_ =	sdelay $0x1  }
0x114: {  	v16 =	vadd.f32 v17, v16;
	_ =	sdelay $0x1  }
0x115: {  	[tilespmem:$0x10400] =	vst v16  }
0x116: {  	v16 =	vld [tilespmem:s16+$0x240]  }
0x117: {  	v17 =	vld [tilespmem:s16+$0x8240]  }
0x118: {  	v18 =	vld [tilespmem:s16+$0x250]  }
0x119: {  	v19 =	vld [tilespmem:s16+$0x8250]  }
0x11a: {  	v20 =	vld [tilespmem:s16+$0x8260]  }
0x11b: {  	v21 =	vld [tilespmem:s16+$0x260]  }
0x11c: {  	v16 =	vmul.f32 v17, v16;
	v17 =	vld [tilespmem:s16+$0x8270]  }
0x11d: {  	v22 =	vld [tilespmem:s16+$0x270]  }
0x11e: {  	v18 =	vmul.f32 v19, v18;
	_ =	sdelay $0x1  }
0x11f: {  	v16 =	vadd.f32 v18, v16;
	v18 =	vmul.f32 v20, v21;
	_ =	sdelay $0x1  }
0x120: {  	v16 =	vadd.f32 v18, v16;
	v17 =	vmul.f32 v17, v22;
	_ =	sdelay $0x1  }
0x121: {  	v16 =	vadd.f32 v17, v16;
	_ =	sdelay $0x1  }
0x122: {  	[tilespmem:$0x10410] =	vst v16  }
0x123: {  	v16 =	vld [tilespmem:s16+$0x8290]  }
0x124: {  	v17 =	vld [tilespmem:s16+$0x280]  }
0x125: {  	v18 =	vld [tilespmem:s16+$0x8280]  }
0x126: {  	v19 =	vld [tilespmem:s16+$0x290]  }
0x127: {  	v20 =	vld [tilespmem:s16+$0x82A0]  }
0x128: {  	v21 =	vld [tilespmem:s16+$0x2A0]  }
0x129: {  	v22 =	vld [tilespmem:s16+$0x82B0]  }
0x12a: {  	v17 =	vmul.f32 v18, v17;
	v18 =	vld [tilespmem:s16+$0x2B0]  }
0x12b: {  	v16 =	vmul.f32 v16, v19;
	_ =	sdelay $0x1  }
0x12c: {  	v16 =	vadd.f32 v16, v17;
	v17 =	vmul.f32 v20, v21;
	_ =	sdelay $0x1  }
0x12d: {  	v16 =	vadd.f32 v17, v16;
	v17 =	vmul.f32 v22, v18;
	_ =	sdelay $0x1  }
0x12e: {  	v16 =	vadd.f32 v17, v16;
	_ =	sdelay $0x1  }
0x12f: {  	[tilespmem:$0x10420] =	vst v16  }
0x130: {  	v16 =	vld [tilespmem:s16+$0x82D0]  }
0x131: {  	v17 =	vld [tilespmem:s16+$0x2C0]  }
0x132: {  	v18 =	vld [tilespmem:s16+$0x82C0]  }
0x133: {  	v19 =	vld [tilespmem:s16+$0x2D0]  }
0x134: {  	v20 =	vld [tilespmem:s16+$0x2E0]  }
0x135: {  	v21 =	vld [tilespmem:s16+$0x82E0]  }
0x136: {  	v22 =	vld [tilespmem:s16+$0x82F0]  }
0x137: {  	v17 =	vmul.f32 v18, v17;
	v18 =	vld [tilespmem:s16+$0x2F0]  }
0x138: {  	v16 =	vmul.f32 v16, v19;
	_ =	sdelay $0x1  }
0x139: {  	v16 =	vadd.f32 v16, v17;
	v17 =	vmul.f32 v21, v20;
	_ =	sdelay $0x1  }
0x13a: {  	v16 =	vadd.f32 v17, v16;
	v17 =	vmul.f32 v22, v18;
	_ =	sdelay $0x1  }
0x13b: {  	v16 =	vadd.f32 v17, v16;
	_ =	sdelay $0x1  }
0x13c: {  	[tilespmem:$0x10430] =	vst v16  }
0x13d: {  	v16 =	vld [tilespmem:s16+$0x8300]  }
0x13e: {  	v17 =	vld [tilespmem:s16+$0x8310]  }
0x13f: {  	v18 =	vld [tilespmem:s16+$0x300]  }
0x140: {  	v19 =	vld [tilespmem:s16+$0x310]  }
0x141: {  	v20 =	vld [tilespmem:s16+$0x320]  }
0x142: {  	v21 =	vld [tilespmem:s16+$0x8320]  }
0x143: {  	v22 =	vld [tilespmem:s16+$0x8330]  }
0x144: {  	v16 =	vmul.f32 v16, v18;
	v18 =	vld [tilespmem:s16+$0x330]  }
0x145: {  	v17 =	vmul.f32 v17, v19;
	_ =	sdelay $0x1  }
0x146: {  	v16 =	vadd.f32 v17, v16;
	v17 =	vmul.f32 v21, v20;
	_ =	sdelay $0x1  }
0x147: {  	v16 =	vadd.f32 v17, v16;
	v17 =	vmul.f32 v22, v18;
	_ =	sdelay $0x1  }
0x148: {  	v16 =	vadd.f32 v17, v16;
	_ =	sdelay $0x1  }
0x149: {  	[tilespmem:$0x10440] =	vst v16  }
0x14a: {  	v16 =	vld [tilespmem:s16+$0x8340]  }
0x14b: {  	v17 =	vld [tilespmem:s16+$0x8350]  }
0x14c: {  	v18 =	vld [tilespmem:s16+$0x340]  }
0x14d: {  	v19 =	vld [tilespmem:s16+$0x350]  }
0x14e: {  	v20 =	vld [tilespmem:s16+$0x360]  }
0x14f: {  	v21 =	vld [tilespmem:s16+$0x8360]  }
0x150: {  	v22 =	vld [tilespmem:s16+$0x8370]  }
0x151: {  	v16 =	vmul.f32 v16, v18;
	v18 =	vld [tilespmem:s16+$0x370]  }
0x152: {  	v17 =	vmul.f32 v17, v19;
	_ =	sdelay $0x1  }
0x153: {  	v16 =	vadd.f32 v17, v16;
	v17 =	vmul.f32 v21, v20;
	_ =	sdelay $0x1  }
0x154: {  	v16 =	vadd.f32 v17, v16;
	v17 =	vmul.f32 v22, v18;
	_ =	sdelay $0x1  }
0x155: {  	v16 =	vadd.f32 v17, v16;
	_ =	sdelay $0x1  }
0x156: {  	[tilespmem:$0x10450] =	vst v16  }
0x157: {  	v16 =	vld [tilespmem:s16+$0x8380]  }
0x158: {  	v17 =	vld [tilespmem:s16+$0x8390]  }
0x159: {  	v18 =	vld [tilespmem:s16+$0x390]  }
0x15a: {  	v19 =	vld [tilespmem:s16+$0x380]  }
0x15b: {  	v20 =	vld [tilespmem:s16+$0x83A0]  }
0x15c: {  	v21 =	vld [tilespmem:s16+$0x3A0]  }
0x15d: {  	v22 =	vld [tilespmem:s16+$0x83B0]  }
0x15e: {  	v17 =	vmul.f32 v17, v18;
	v18 =	vld [tilespmem:s16+$0x3B0]  }
0x15f: {  	v16 =	vmul.f32 v16, v19;
	_ =	sdelay $0x1  }
0x160: {  	v16 =	vadd.f32 v17, v16;
	v17 =	vmul.f32 v20, v21;
	_ =	sdelay $0x1  }
0x161: {  	v16 =	vadd.f32 v17, v16;
	v17 =	vmul.f32 v22, v18;
	_ =	sdelay $0x1  }
0x162: {  	v16 =	vadd.f32 v17, v16;
	_ =	sdelay $0x1  }
0x163: {  	[tilespmem:$0x10460] =	vst v16  }
0x164: {  	v16 =	vld [tilespmem:s16+$0x3C0]  }
0x165: {  	v17 =	vld [tilespmem:s16+$0x83C0]  }
0x166: {  	v18 =	vld [tilespmem:s16+$0x83D0]  }
0x167: {  	v19 =	vld [tilespmem:s16+$0x3D0]  }
0x168: {  	v20 =	vld [tilespmem:s16+$0x83E0]  }
0x169: {  	v21 =	vld [tilespmem:s16+$0x3E0]  }
0x16a: {  	v16 =	vmul.f32 v17, v16;
	v17 =	vld [tilespmem:s16+$0x83F0]  }
0x16b: {  	v22 =	vld [tilespmem:s16+$0x3F0]  }
0x16c: {  	v18 =	vmul.f32 v18, v19;
	_ =	sdelay $0x1  }
0x16d: {  	v16 =	vadd.f32 v18, v16;
	v18 =	vmul.f32 v20, v21;
	_ =	sdelay $0x1  }
0x16e: {  	v16 =	vadd.f32 v18, v16;
	v17 =	vmul.f32 v17, v22;
	_ =	sdelay $0x1  }
0x16f: {  	v16 =	vadd.f32 v17, v16;
	_ =	sdelay $0x1  }
0x170: {  	[tilespmem:$0x10470] =	vst v16  }
0x171: {  	v16 =	vld [tilespmem:s16+$0x8400]  }
0x172: {  	v17 =	vld [tilespmem:s16+$0x8410]  }
0x173: {  	v18 =	vld [tilespmem:s16+$0x400]  }
0x174: {  	v19 =	vld [tilespmem:s16+$0x410]  }
0x175: {  	v20 =	vld [tilespmem:s16+$0x8420]  }
0x176: {  	v21 =	vld [tilespmem:s16+$0x420]  }
0x177: {  	v22 =	vld [tilespmem:s16+$0x8430]  }
0x178: {  	v16 =	vmul.f32 v16, v18;
	v18 =	vld [tilespmem:s16+$0x430]  }
0x179: {  	v17 =	vmul.f32 v17, v19;
	_ =	sdelay $0x1  }
0x17a: {  	v16 =	vadd.f32 v17, v16;
	v17 =	vmul.f32 v20, v21;
	_ =	sdelay $0x1  }
0x17b: {  	v16 =	vadd.f32 v17, v16;
	v17 =	vmul.f32 v22, v18;
	_ =	sdelay $0x1  }
0x17c: {  	v16 =	vadd.f32 v17, v16;
	_ =	sdelay $0x1  }
0x17d: {  	[tilespmem:$0x10480] =	vst v16  }
0x17e: {  	v16 =	vld [tilespmem:s16+$0x8440]  }
0x17f: {  	v17 =	vld [tilespmem:s16+$0x8450]  }
0x180: {  	v18 =	vld [tilespmem:s16+$0x450]  }
0x181: {  	v19 =	vld [tilespmem:s16+$0x440]  }
0x182: {  	v20 =	vld [tilespmem:s16+$0x460]  }
0x183: {  	v21 =	vld [tilespmem:s16+$0x8460]  }
0x184: {  	v22 =	vld [tilespmem:s16+$0x470]  }
0x185: {  	v17 =	vmul.f32 v17, v18;
	v18 =	vld [tilespmem:s16+$0x8470]  }
0x186: {  	v16 =	vmul.f32 v16, v19;
	_ =	sdelay $0x1  }
0x187: {  	v16 =	vadd.f32 v17, v16;
	v17 =	vmul.f32 v21, v20;
	_ =	sdelay $0x1  }
0x188: {  	v16 =	vadd.f32 v17, v16;
	v17 =	vmul.f32 v18, v22;
	_ =	sdelay $0x1  }
0x189: {  	v16 =	vadd.f32 v17, v16;
	_ =	sdelay $0x1  }
0x18a: {  	[tilespmem:$0x10490] =	vst v16  }
0x18b: {  	v16 =	vld [tilespmem:s16+$0x8490]  }
0x18c: {  	v17 =	vld [tilespmem:s16+$0x8480]  }
0x18d: {  	v18 =	vld [tilespmem:s16+$0x480]  }
0x18e: {  	v19 =	vld [tilespmem:s16+$0x490]  }
0x18f: {  	v20 =	vld [tilespmem:s16+$0x4A0]  }
0x190: {  	v21 =	vld [tilespmem:s16+$0x84A0]  }
0x191: {  	v22 =	vld [tilespmem:s16+$0x4B0]  }
0x192: {  	v17 =	vmul.f32 v17, v18;
	v18 =	vld [tilespmem:s16+$0x84B0]  }
0x193: {  	v16 =	vmul.f32 v16, v19;
	_ =	sdelay $0x1  }
0x194: {  	v16 =	vadd.f32 v16, v17;
	v17 =	vmul.f32 v21, v20;
	_ =	sdelay $0x1  }
0x195: {  	v16 =	vadd.f32 v17, v16;
	v17 =	vmul.f32 v18, v22;
	_ =	sdelay $0x1  }
0x196: {  	v16 =	vadd.f32 v17, v16;
	_ =	sdelay $0x1  }
0x197: {  	[tilespmem:$0x104A0] =	vst v16  }
0x198: {  	v16 =	vld [tilespmem:s16+$0x84C0]  }
0x199: {  	v17 =	vld [tilespmem:s16+$0x84D0]  }
0x19a: {  	v18 =	vld [tilespmem:s16+$0x4C0]  }
0x19b: {  	v19 =	vld [tilespmem:s16+$0x4D0]  }
0x19c: {  	v20 =	vld [tilespmem:s16+$0x4E0]  }
0x19d: {  	v21 =	vld [tilespmem:s16+$0x84E0]  }
0x19e: {  	v22 =	vld [tilespmem:s16+$0x4F0]  }
0x19f: {  	v16 =	vmul.f32 v16, v18;
	v18 =	vld [tilespmem:s16+$0x84F0]  }
0x1a0: {  	v17 =	vmul.f32 v17, v19;
	_ =	sdelay $0x1  }
0x1a1: {  	v16 =	vadd.f32 v17, v16;
	v17 =	vmul.f32 v21, v20;
	_ =	sdelay $0x1  }
0x1a2: {  	v16 =	vadd.f32 v17, v16;
	v17 =	vmul.f32 v18, v22;
	_ =	sdelay $0x1  }
0x1a3: {  	v16 =	vadd.f32 v17, v16;
	_ =	sdelay $0x1  }
0x1a4: {  	[tilespmem:$0x104B0] =	vst v16  }
0x1a5: {  	v16 =	vld [tilespmem:s16+$0x8500]  }
0x1a6: {  	v17 =	vld [tilespmem:s16+$0x8510]  }
0x1a7: {  	v18 =	vld [tilespmem:s16+$0x500]  }
0x1a8: {  	v19 =	vld [tilespmem:s16+$0x510]  }
0x1a9: {  	v20 =	vld [tilespmem:s16+$0x520]  }
0x1aa: {  	v21 =	vld [tilespmem:s16+$0x8520]  }
0x1ab: {  	v22 =	vld [tilespmem:s16+$0x530]  }
0x1ac: {  	v16 =	vmul.f32 v16, v18;
	v18 =	vld [tilespmem:s16+$0x8530]  }
0x1ad: {  	v17 =	vmul.f32 v17, v19;
	_ =	sdelay $0x1  }
0x1ae: {  	v16 =	vadd.f32 v17, v16;
	v17 =	vmul.f32 v21, v20;
	_ =	sdelay $0x1  }
0x1af: {  	v16 =	vadd.f32 v17, v16;
	v17 =	vmul.f32 v18, v22;
	_ =	sdelay $0x1  }
0x1b0: {  	v16 =	vadd.f32 v17, v16;
	_ =	sdelay $0x1  }
0x1b1: {  	[tilespmem:$0x104C0] =	vst v16  }
0x1b2: {  	v16 =	vld [tilespmem:s16+$0x8540]  }
0x1b3: {  	v17 =	vld [tilespmem:s16+$0x8550]  }
0x1b4: {  	v18 =	vld [tilespmem:s16+$0x540]  }
0x1b5: {  	v19 =	vld [tilespmem:s16+$0x550]  }
0x1b6: {  	v20 =	vld [tilespmem:s16+$0x560]  }
0x1b7: {  	v21 =	vld [tilespmem:s16+$0x8560]  }
0x1b8: {  	v22 =	vld [tilespmem:s16+$0x570]  }
0x1b9: {  	v16 =	vmul.f32 v16, v18;
	v18 =	vld [tilespmem:s16+$0x8570]  }
0x1ba: {  	v17 =	vmul.f32 v17, v19;
	_ =	sdelay $0x1  }
0x1bb: {  	v16 =	vadd.f32 v17, v16;
	v17 =	vmul.f32 v21, v20;
	_ =	sdelay $0x1  }
0x1bc: {  	v16 =	vadd.f32 v17, v16;
	v17 =	vmul.f32 v18, v22;
	_ =	sdelay $0x1  }
0x1bd: {  	v16 =	vadd.f32 v17, v16;
	_ =	sdelay $0x1  }
0x1be: {  	[tilespmem:$0x104D0] =	vst v16  }
0x1bf: {  	v16 =	vld [tilespmem:s16+$0x8580]  }
0x1c0: {  	v17 =	vld [tilespmem:s16+$0x8590]  }
0x1c1: {  	v18 =	vld [tilespmem:s16+$0x590]  }
0x1c2: {  	v19 =	vld [tilespmem:s16+$0x580]  }
0x1c3: {  	v20 =	vld [tilespmem:s16+$0x5A0]  }
0x1c4: {  	v21 =	vld [tilespmem:s16+$0x85A0]  }
0x1c5: {  	v22 =	vld [tilespmem:s16+$0x5B0]  }
0x1c6: {  	v17 =	vmul.f32 v17, v18;
	v18 =	vld [tilespmem:s16+$0x85B0]  }
0x1c7: {  	v16 =	vmul.f32 v16, v19;
	_ =	sdelay $0x1  }
0x1c8: {  	v16 =	vadd.f32 v17, v16;
	v17 =	vmul.f32 v21, v20;
	_ =	sdelay $0x1  }
0x1c9: {  	v16 =	vadd.f32 v17, v16;
	v17 =	vmul.f32 v18, v22;
	_ =	sdelay $0x1  }
0x1ca: {  	v16 =	vadd.f32 v17, v16;
	_ =	sdelay $0x1  }
0x1cb: {  	[tilespmem:$0x104E0] =	vst v16  }
0x1cc: {  	v16 =	vld [tilespmem:s16+$0x5E0]  }
0x1cd: {  	v17 =	vld [tilespmem:s16+$0x5C0]  }
.Ltmp0:
0x1ce: {  	v18 =	vld [tilespmem:s16+$0x85E0];
	(pc) =	sbr.rel @p0 .LBB2_2-.Ltmp0, $4  }
0x1cf: {  	v19 =	vld [tilespmem:s16+$0x85D0]  }
0x1d0: {  	v22 =	vld [tilespmem:s16+$0x85C0]  }
0x1d1: {  	v21 =	vld [tilespmem:s16+$0x5D0]  }
0x1d2: {  	v20 =	vld [tilespmem:s16+$0x5F0]  }
0x1d3: {  	_ =	sdelay $0x1  }
0x1d4: {  	v23 =	vld [tilespmem:s16+$0x85F0]  }
0x1d5: {  	v17 =	vmul.f32 v22, v17;
	v19 =	vmul.f32 v19, v21;
	_ =	sdelay $0x1  }
0x1d6: {  	v16 =	vmul.f32 v18, v16;
	v17 =	vadd.f32 v19, v17;
	_ =	sdelay $0x1  }
0x1d7: {  	v53 =	vmul.f32 v23, v20;
	v16 =	vadd.f32 v16, v17;
	_ =	sdelay $0x1  }
0x1d8: {  	v16 =	vadd.f32 v53, v16;
	_ =	sdelay $0x1  }
0x1d9: {  	[tilespmem:$0x104F0] =	vst v16  }
0x1da: {  	v16 =	vld.idx.msk [tilespmem:v0+s13+$0x0], $0xffff;
	_ =	sdelay $0x1  }
0x1db: {  	v17 =	vld.idx.msk [tilespmem:v1+s13+$0x0], $0xffff;
	_ =	sdelay $0x1  }
0x1dc: {  	v54 =	vld.idx.msk [tilespmem:v2+s13+$0x0], $0xffff  }
0x1dd: {  	v16 =	vadd.f32 $0.0e+00, v16  }
0x1de: {  	v55 =	vld.idx.msk [tilespmem:v3+s13+$0x0], $0xffff  }
0x1df: {  	v16 =	vadd.f32 v17, v16  }
0x1e0: {  	v17 =	vld.idx.msk [tilespmem:v4+s13+$0x0], $0xffff  }
0x1e1: {  	v16 =	vadd.f32 v54, v16  }
0x1e2: {  	v56 =	vld.idx.msk [tilespmem:v5+s13+$0x0], $0xffff  }
0x1e3: {  	v16 =	vadd.f32 v55, v16  }
0x1e4: {  	v57 =	vld.idx.msk [tilespmem:v6+s13+$0x0], $0xffff  }
0x1e5: {  	v16 =	vadd.f32 v17, v16  }
0x1e6: {  	v17 =	vld.idx.msk [tilespmem:v7+s13+$0x0], $0xffff  }
0x1e7: {  	v16 =	vadd.f32 v56, v16  }
0x1e8: {  	v58 =	vld.idx.msk [tilespmem:v8+s13+$0x0], $0xffff  }
0x1e9: {  	v16 =	vadd.f32 v57, v16  }
0x1ea: {  	v59 =	vld.idx.msk [tilespmem:v9+s13+$0x0], $0xffff  }
0x1eb: {  	v16 =	vadd.f32 v17, v16  }
0x1ec: {  	v17 =	vld.idx.msk [tilespmem:v10+s13+$0x0], $0xffff  }
0x1ed: {  	v16 =	vadd.f32 v58, v16  }
0x1ee: {  	v60 =	vld.idx.msk [tilespmem:v11+s13+$0x0], $0xffff  }
0x1ef: {  	v16 =	vadd.f32 v59, v16  }
0x1f0: {  	v61 =	vld.idx.msk [tilespmem:v12+s13+$0x0], $0xffff  }
0x1f1: {  	v16 =	vadd.f32 v17, v16  }
0x1f2: {  	v17 =	vld.idx.msk [tilespmem:v13+s13+$0x0], $0xffff  }
0x1f3: {  	v16 =	vadd.f32 v60, v16  }
0x1f4: {  	v62 =	vld.idx.msk [tilespmem:v14+s13+$0x0], $0xffff  }
0x1f5: {  	v16 =	vadd.f32 v61, v16  }
0x1f6: {  	v63 =	vld.idx.msk [tilespmem:v15+s13+$0x0], $0xffff  }
0x1f7: {  	v16 =	vadd.f32 v17, v16;
	_ =	sdelay $0x1  }
0x1f8: {  	v16 =	vadd.f32 v62, v16;
	_ =	sdelay $0x1  }
0x1f9: {  	s15 =	sadd.s32 $0x1, s15;
	v16 =	vadd.f32 v63, v16  }
0x1fa: {  	p0 =	sne.s32 s15, s7  }
.Ltmp1:
0x1fb: {  	[tilespmem:s17+$0x0] =	vst v16;
	(pc) =	sbr.rel @p0 .LBB2_1-.Ltmp1, $4  }
0x1fc: {  	[hbm4b:s6+s2] =	stream.linear.scatter [tilespmem:s14], [sflag:$0x3], $0x200, $0x38;
	[tilespmem:$0x10500] =	vst v63  }
0x1fd: {  	_ =	swait.ge [sflag:s8], $0x200  }
0x1fe: {  	[sflag:s8] =	ssyncset.done $0x0  }
0x1ff: {  	[sflag:s8] =	ssyncadd.s32 $0xFFFFFE00  }
0x200: {  	_ =	sfence.sel $0x180000  }
0x201: {  	[bflag:$0x0] =	sbarrier.arrive $0xFFFF  }
0x202: {  	p0 =	sne.s32 s1, $0x0;
	_ =	strace $0x9000004A  }
0x203: {  	s0 =	sadd.s32 @!p0 $0x100000, s0;
	[bflag:$0x2] =	sbarrier.arrive $0xFFFF  }
0x204: {  	[sflag:s0] =	ssyncadd.tile.s32 @!p0 $0x1;
	_ =	shalt  }
.Lfunc_end2:
_tile_overlayer_lowered:
.L_overlay_start_2:
0x205: {  	(tag) =	ssettag $0x2  }
0x206: {  	s0 =	rddreg [dreg:$0x0];
	s2 =	stileid.u32  }
0x207: {  	s1 =	rddreg [dreg:$0x1];
	p0 =	sne.s32 s2, $0x0  }
0x208: {  	s3 =	rddreg [dreg:$0x2];
	[bflag:$0x3] =	sbarrier.arrive $0xFFFF;
	s2 =	simm.s32 @!p0 $0x1C03  }
0x209: {  	[timem:s3], [sflag:s2] =	dma.local @!p0 [hbm:s0], s1  }
0x20a: {  	s0 =	simm.s32 @!p0 $0x3  }
0x20b: {  	_ =	swait.ge @!p0 [sflag:s0], s1  }
0x20c: {  	s1 =	ssub.s32 @!p0 $0x0, s1;
	[sflag:s0] =	ssyncset.done @!p0 $0x0  }
0x20d: {  	[sflag:s0] =	ssyncadd.s32 @!p0 s1  }
0x20e: {  	[bflag:$0x3] =	sbarrier.arrive $0xFFFF  }
0x20f: {  	_ =	shalt  }

</sc_bundles>
